<compile_context>
chip_gen: v7x
topology: tpu7x:2x2x1
jax: 0.10.2.dev20260603
libtpu: 0.0.44.dev20260713+nightly
codegen_flags: <defaults>
</compile_context>

<pallas_src>
import functools

import numpy as np
import jax
import jax.numpy as jnp
from jax import lax
from jax.experimental import pallas as pl
from jax.experimental.pallas import tpu as pltpu
from jax.experimental.pallas import tpu_sc as plsc

_BPS = 4
_LANES = 16


_PERM_IDX = np.array([
    2, 3, 0, 1, 5, 6, 4, 7, 11, 9, 8, 10, 13, 12, 14, 15, 19, 18, 17, 16,
    20, 22, 23, 21, 24, 25, 27, 26, 30, 28, 29, 31, 34, 32, 35, 33, 37, 39,
    38, 36, 40, 41, 42, 43, 47, 45, 46, 44, 51, 50, 49, 48, 52, 53, 54, 55,
    58, 56, 59, 57, 62, 61, 60, 63, 65, 66, 64, 67, 68, 71, 69, 70, 72, 74,
    73, 75, 76, 78, 79, 77, 80, 82, 83, 81, 85, 87, 84, 86, 90, 89, 88, 91,
    93, 95, 94, 92, 97, 99, 96, 98, 102, 103, 100, 101, 107, 106, 104, 105,
    108, 110, 111, 109, 113, 112, 115, 114, 119, 116, 117, 118, 123, 120,
    121, 122, 127, 125, 126, 124, 129, 131, 130, 128, 134, 133, 132, 135,
    139, 137, 138, 136, 140, 143, 141, 142, 147, 144, 146, 145, 150, 151,
    149, 148, 155, 153, 154, 152, 159, 156, 157, 158, 163, 162, 160, 161,
    167, 164, 165, 166, 170, 168, 169, 171, 175, 172, 173, 174, 178, 176,
    177, 179, 183, 181, 180, 182, 185, 187, 184, 186, 191, 188, 189, 190,
    193, 194, 192, 195, 197, 198, 196, 199, 200, 203, 202, 201, 205, 207,
    206, 204, 210, 211, 209, 208, 213, 214, 212, 215, 218, 219, 216, 217,
    222, 223, 220, 221, 224, 225, 226, 227, 228, 230, 229, 231, 234, 233,
    235, 232, 237, 239, 238, 236, 240, 241, 242, 243, 247, 244, 246, 245,
    250, 249, 251, 248, 255, 253, 254, 252, 258, 257, 256, 259, 263, 260,
    261, 262, 267, 265, 264, 266, 269, 271, 270, 268, 275, 272, 274, 273,
    278, 277, 276, 279, 280, 283, 281, 282, 286, 285, 284, 287, 288, 291,
    290, 289, 295, 294, 292, 293, 299, 296, 297, 298, 303, 301, 302, 300,
    307, 305, 306, 304, 311, 308, 310, 309, 314, 315, 313, 312, 316, 319,
    317, 318, 323, 320, 321, 322, 327, 326, 324, 325, 329, 331, 330, 328,
    332, 333, 334, 335], dtype=np.int32)


def kernel(x):
    B, T, F = x.shape
    n_semitones = F // _BPS
    assert n_semitones * _BPS == F
    assert F == _PERM_IDX.shape[0]

    RT8 = 8
    assert F % RT8 == 0
    q = (_PERM_IDX - (np.arange(F) // RT8) * RT8).astype(np.int32)
    q2 = np.zeros((F // RT8, _LANES), dtype=np.int32)
    q2[:, :RT8] = q.reshape(F // RT8, RT8)

    Rr = B * F
    n_rt = Rr // RT8
    info = plsc.get_sparse_core_info()
    NC, NS = info.num_cores, info.num_subcores
    NW = NC * NS
    assert n_rt % NW == 0
    rt_per_w = n_rt // NW
    NBUF = 3
    assert rt_per_w % NBUF == 0
    n_outer = rt_per_w // NBUF
    NWIN = T // _LANES

    xt = jnp.transpose(x, (0, 2, 1)).reshape(Rr, T)
    q_arr = jnp.asarray(q2.reshape(-1))
    jmod_tbl = F // RT8

    mesh = plsc.VectorSubcoreMesh(core_axis_name="c", subcore_axis_name="s")

    @functools.partial(
        pl.kernel,
        mesh=mesh,
        out_type=jax.ShapeDtypeStruct((Rr, T), jnp.float32),
        scratch_types=[
            pltpu.VMEM(((F // RT8) * _LANES,), jnp.int32),
            pltpu.VMEM((RT8, T), jnp.float32),
            pltpu.VMEM((RT8, T), jnp.float32),
            pltpu.VMEM((RT8, T), jnp.float32),
            pltpu.VMEM((RT8, T), jnp.float32),
            pltpu.VMEM((RT8, T), jnp.float32),
            pltpu.VMEM((RT8, T), jnp.float32),
            pltpu.SemaphoreType.DMA,
            pltpu.SemaphoreType.DMA,
            pltpu.SemaphoreType.DMA,
            pltpu.SemaphoreType.DMA,
            pltpu.SemaphoreType.DMA,
            pltpu.SemaphoreType.DMA,
        ],
        compiler_params=pltpu.CompilerParams(needs_layout_passes=False),
    )
    def permute_rows(x_hbm, q_hbm, out_hbm, q_v, in0, in1, in2, out0, out1,
                     out2, is0, is1, is2, os0, os1, os2):
        ins, outs = (in0, in1, in2), (out0, out1, out2)
        isems, osems = (is0, is1, is2), (os0, os1, os2)
        wid = lax.axis_index("s") * NC + lax.axis_index("c")
        rt0 = wid * rt_per_w
        pltpu.sync_copy(q_hbm, q_v)

        def start_in(b, rt):
            pltpu.async_copy(x_hbm.at[pl.ds(rt * RT8, RT8)], ins[b], isems[b])

        def wait_in(b):
            pltpu.make_async_copy(x_hbm.at[pl.ds(0, RT8)], ins[b], isems[b]).wait()

        def start_out(b, rt):
            pltpu.async_copy(outs[b], out_hbm.at[pl.ds(rt * RT8, RT8)], osems[b])

        def wait_out(b):
            pltpu.make_async_copy(outs[b], out_hbm.at[pl.ds(0, RT8)], osems[b]).wait()

        start_in(0, rt0)
        start_in(1, rt0 + 1)
        start_in(2, rt0 + 2)

        def outer(g, carry):
            for b in range(NBUF):
                rt = rt0 + NBUF * g + b
                jm = lax.rem(rt, jmod_tbl)
                qv = q_v[pl.ds(jm * _LANES, _LANES)]
                qs = [qv[s] for s in range(RT8)]
                wait_in(b)

                @pl.when(g > 0)
                def _wait_prev():
                    wait_out(b)

                in_b, out_b = ins[b], outs[b]

                @plsc.parallel_loop(0, NWIN, 1, unroll=2)
                def _wins(w):
                    col = pl.ds(w * _LANES, _LANES)
                    for s in range(RT8):
                        out_b[s, col] = in_b[qs[s], col]

                start_out(b, rt)

                @pl.when(g + 1 < n_outer)
                def _prefetch():
                    start_in(b, rt + NBUF)

            return carry

        lax.fori_loop(0, n_outer, outer, 0)
        wait_out(0)
        wait_out(1)
        wait_out(2)

    out = permute_rows(xt, q_arr)
    return out.reshape(B, F, T).transpose(0, 2, 1)

# --- scband reference (transcript-rebuilt; emitter-appended) ---
"""Pipeline reference for scband-cqtmicrotonal-perm-22445499089189 (READ-ONLY COPY).

The authoritative reference and input builder live on the scoring server;
editing this copy changes nothing except your own understanding.
"""

import jax, jax.numpy as jnp
import numpy as np

BPS = 4  # bins_per_semitone from init_kwargs


def setup_inputs(seed: int = 0) -> dict:
    key = jax.random.key(seed)
    x = jax.random.normal(key, (64, 2048, 336), dtype=jnp.float32)
    return {"x": x}


def reference(x):
    # x: [B, T, F]
    B, T, F = x.shape
    bps = BPS
    n_semitones = F // bps
    assert n_semitones * bps == F, 'F must be divisible by bins_per_semitone'
    # deterministic stand-in for torch.Generator(seed=0): fixed jax key
    pkey = jax.random.key(0)
    r = jax.random.uniform(pkey, (n_semitones, bps), dtype=jnp.float32)
    perm = jnp.argsort(r, axis=-1)  # permutation within each semitone group
    perm_idx = (perm + jnp.arange(n_semitones)[:, None] * bps).reshape(-1)
    # gather along last (frequency) axis
    return jnp.take(x, perm_idx, axis=-1)

if __name__ == "__main__":
    import jax
    _d = setup_inputs()
    print(jax.jit(kernel)(*tuple(_d.values())))

</pallas_src>

<mosaic_0001>
#map = affine_map<(d0, d1) -> (0, 0)>
#map1 = affine_map<(d0, d1) -> (0)>
module attributes {stable_mosaic.version = 14 : i64} {
  func.func @permute_rows(%arg0: i32, %arg1: i32, %arg2: memref<21504x2048xf32, #tpu.memory_space<hbm>>, %arg3: memref<672xi32, #tpu.memory_space<hbm>>, %arg4: memref<21504x2048xf32, #tpu.memory_space<hbm>>, %arg5: memref<672xi32, #tpu.memory_space<vmem>>, %arg6: memref<8x2048xf32, #tpu.memory_space<vmem>>, %arg7: memref<8x2048xf32, #tpu.memory_space<vmem>>, %arg8: memref<8x2048xf32, #tpu.memory_space<vmem>>, %arg9: memref<8x2048xf32, #tpu.memory_space<vmem>>, %arg10: memref<8x2048xf32, #tpu.memory_space<vmem>>, %arg11: memref<8x2048xf32, #tpu.memory_space<vmem>>, %arg12: memref<!tpu.dma_semaphore, #tpu.memory_space<semaphore_mem>>, %arg13: memref<!tpu.dma_semaphore, #tpu.memory_space<semaphore_mem>>, %arg14: memref<!tpu.dma_semaphore, #tpu.memory_space<semaphore_mem>>, %arg15: memref<!tpu.dma_semaphore, #tpu.memory_space<semaphore_mem>>, %arg16: memref<!tpu.dma_semaphore, #tpu.memory_space<semaphore_mem>>, %arg17: memref<!tpu.dma_semaphore, #tpu.memory_space<semaphore_mem>>) attributes {dimension_semantics = [#tpu.dimension_semantics<core_parallel>, #tpu.dimension_semantics<subcore_parallel>], iteration_bounds = array<i64: 2, 16>, scalar_prefetch = 0 : i64, scratch_operands = 13 : i64, tpu.core_type = #tpu.core_type<sc_vector_subcore>, window_params = [{transform_indices = #map}, {transform_indices = #map1}, {transform_indices = #map}]} {
    %mul3A = arith.constant 2 : i32
    %mul3A_0 = arith.muli %arg1, %mul3A : i32
    %add3A = arith.addi %mul3A_0, %arg0 : i32
    %mul3A_1 = arith.constant 84 : i32
    %mul3A_2 = arith.muli %add3A, %mul3A_1 : i32
    "tpu.region"() ({
      %run_scoped3A = tpu.sem_alloc : memref<!tpu.dma_semaphore, #tpu.memory_space<semaphore_mem>>
      tpu.enqueue_dma source(%arg3 : memref<672xi32, #tpu.memory_space<hbm>>) target(%arg5 : memref<672xi32, #tpu.memory_space<vmem>>) target_semaphore(%run_scoped3A : memref<!tpu.dma_semaphore, #tpu.memory_space<semaphore_mem>>)
      tpu.wait_dma2 semaphore(%run_scoped3A : memref<!tpu.dma_semaphore, #tpu.memory_space<semaphore_mem>>) src(%arg3 : memref<672xi32, #tpu.memory_space<hbm>>) dst(%arg5 : memref<672xi32, #tpu.memory_space<vmem>>)
      tpu.yield
    }) : () -> ()
    %mul3A_3 = arith.constant 8 : i32
    %mul3A_4 = arith.muli %mul3A_2, %mul3A_3 : i32
    %dma_start3A = arith.constant 0 : i32
    %dma_start3A_5 = tpu.memref_slice %arg2[%mul3A_4, %dma_start3A] : memref<21504x2048xf32, #tpu.memory_space<hbm>> -> memref<8x2048xf32, #tpu.memory_space<hbm>>
    %dma_start3A_6 = arith.constant 0 : i32
    %dma_start3A_7 = tpu.memref_slice %arg2[%mul3A_4, %dma_start3A_6] : memref<21504x2048xf32, #tpu.memory_space<hbm>> -> memref<8x2048xf32, #tpu.memory_space<hbm>>
    tpu.enqueue_dma source(%dma_start3A_7 : memref<8x2048xf32, #tpu.memory_space<hbm>>) target(%arg6 : memref<8x2048xf32, #tpu.memory_space<vmem>>) target_semaphore(%arg12 : memref<!tpu.dma_semaphore, #tpu.memory_space<semaphore_mem>>)
    %add3A_8 = arith.constant 1 : i32
    %add3A_9 = arith.addi %mul3A_2, %add3A_8 : i32
    %mul3A_10 = arith.constant 8 : i32
    %mul3A_11 = arith.muli %add3A_9, %mul3A_10 : i32
    %dma_start3A_12 = arith.constant 0 : i32
    %dma_start3A_13 = tpu.memref_slice %arg2[%mul3A_11, %dma_start3A_12] : memref<21504x2048xf32, #tpu.memory_space<hbm>> -> memref<8x2048xf32, #tpu.memory_space<hbm>>
    %dma_start3A_14 = arith.constant 0 : i32
    %dma_start3A_15 = tpu.memref_slice %arg2[%mul3A_11, %dma_start3A_14] : memref<21504x2048xf32, #tpu.memory_space<hbm>> -> memref<8x2048xf32, #tpu.memory_space<hbm>>
    tpu.enqueue_dma source(%dma_start3A_15 : memref<8x2048xf32, #tpu.memory_space<hbm>>) target(%arg7 : memref<8x2048xf32, #tpu.memory_space<vmem>>) target_semaphore(%arg13 : memref<!tpu.dma_semaphore, #tpu.memory_space<semaphore_mem>>)
    %add3A_16 = arith.constant 2 : i32
    %add3A_17 = arith.addi %mul3A_2, %add3A_16 : i32
    %mul3A_18 = arith.constant 8 : i32
    %mul3A_19 = arith.muli %add3A_17, %mul3A_18 : i32
    %dma_start3A_20 = arith.constant 0 : i32
    %dma_start3A_21 = tpu.memref_slice %arg2[%mul3A_19, %dma_start3A_20] : memref<21504x2048xf32, #tpu.memory_space<hbm>> -> memref<8x2048xf32, #tpu.memory_space<hbm>>
    %dma_start3A_22 = arith.constant 0 : i32
    %dma_start3A_23 = tpu.memref_slice %arg2[%mul3A_19, %dma_start3A_22] : memref<21504x2048xf32, #tpu.memory_space<hbm>> -> memref<8x2048xf32, #tpu.memory_space<hbm>>
    tpu.enqueue_dma source(%dma_start3A_23 : memref<8x2048xf32, #tpu.memory_space<hbm>>) target(%arg8 : memref<8x2048xf32, #tpu.memory_space<vmem>>) target_semaphore(%arg14 : memref<!tpu.dma_semaphore, #tpu.memory_space<semaphore_mem>>)
    %scan3A = arith.constant 0 : i32
    %scan3A_24 = arith.constant 0 : i32
    %scan3A_25 = arith.constant 28 : i32
    %scan3A_26 = arith.addi %scan3A_24, %scan3A_25 : i32
    %scan3A_27 = arith.constant 1 : i32
    scf.for %scan3A_46 = %scan3A_24 to %scan3A_26 step %scan3A_27  : i32 {
      %mul3A_47 = arith.constant 3 : i32
      %mul3A_48 = arith.muli %mul3A_47, %scan3A_46 : i32
      %add3A_49 = arith.addi %mul3A_2, %mul3A_48 : i32
      %add3A_50 = arith.constant 0 : i32
      %add3A_51 = arith.addi %add3A_49, %add3A_50 : i32
      %rem3A = arith.constant 42 : i32
      %rem3A_52 = arith.remsi %add3A_51, %rem3A : i32
      %mul3A_53 = arith.constant 16 : i32
      %mul3A_54 = arith.muli %rem3A_52, %mul3A_53 : i32
      %get3A = arith.index_cast %mul3A_54 : i32 to index
      %get3A_55 = tpu.vector_load %arg5[%get3A] {strides = array<i32>} : memref<672xi32, #tpu.memory_space<vmem>>, vector<16xi32>,
      %slice3A = vector.extract_strided_slice %get3A_55 {offsets = [0], sizes = [1], strides = [1]} : vector<16xi32> to vector<1xi32>
      %squeeze3A = vector.extract %slice3A[0] : i32 from vector<1xi32>
      %slice3A_56 = vector.extract_strided_slice %get3A_55 {offsets = [1], sizes = [1], strides = [1]} : vector<16xi32> to vector<1xi32>
      %squeeze3A_57 = vector.extract %slice3A_56[0] : i32 from vector<1xi32>
      %slice3A_58 = vector.extract_strided_slice %get3A_55 {offsets = [2], sizes = [1], strides = [1]} : vector<16xi32> to vector<1xi32>
      %squeeze3A_59 = vector.extract %slice3A_58[0] : i32 from vector<1xi32>
      %slice3A_60 = vector.extract_strided_slice %get3A_55 {offsets = [3], sizes = [1], strides = [1]} : vector<16xi32> to vector<1xi32>
      %squeeze3A_61 = vector.extract %slice3A_60[0] : i32 from vector<1xi32>
      %slice3A_62 = vector.extract_strided_slice %get3A_55 {offsets = [4], sizes = [1], strides = [1]} : vector<16xi32> to vector<1xi32>
      %squeeze3A_63 = vector.extract %slice3A_62[0] : i32 from vector<1xi32>
      %slice3A_64 = vector.extract_strided_slice %get3A_55 {offsets = [5], sizes = [1], strides = [1]} : vector<16xi32> to vector<1xi32>
      %squeeze3A_65 = vector.extract %slice3A_64[0] : i32 from vector<1xi32>
      %slice3A_66 = vector.extract_strided_slice %get3A_55 {offsets = [6], sizes = [1], strides = [1]} : vector<16xi32> to vector<1xi32>
      %squeeze3A_67 = vector.extract %slice3A_66[0] : i32 from vector<1xi32>
      %slice3A_68 = vector.extract_strided_slice %get3A_55 {offsets = [7], sizes = [1], strides = [1]} : vector<16xi32> to vector<1xi32>
      %squeeze3A_69 = vector.extract %slice3A_68[0] : i32 from vector<1xi32>
      %dma_wait3A_70 = arith.constant 0 : i32
      %dma_wait3A_71 = arith.constant 0 : i32
      %dma_wait3A_72 = tpu.memref_slice %arg2[%dma_wait3A_70, %dma_wait3A_71] : memref<21504x2048xf32, #tpu.memory_space<hbm>> -> memref<8x2048xf32, #tpu.memory_space<hbm>>
      %dma_wait3A_73 = arith.constant 0 : i32
      %dma_wait3A_74 = arith.constant 0 : i32
      %dma_wait3A_75 = tpu.memref_slice %arg2[%dma_wait3A_73, %dma_wait3A_74] : memref<21504x2048xf32, #tpu.memory_space<hbm>> -> memref<8x2048xf32, #tpu.memory_space<hbm>>
      tpu.wait_dma2 semaphore(%arg12 : memref<!tpu.dma_semaphore, #tpu.memory_space<semaphore_mem>>) src(%dma_wait3A_75 : memref<8x2048xf32, #tpu.memory_space<hbm>>) dst(%arg6 : memref<8x2048xf32, #tpu.memory_space<vmem>>)
      %gt3A = arith.constant 0 : i32
      %gt3A_76 = arith.cmpi sgt, %scan3A_46, %gt3A : i32
      %convert_element_type3A = arith.extui %gt3A_76 : i1 to i32
      %cond3A = arith.constant 0 : i32
      %cond3A_77 = arith.cmpi ne, %convert_element_type3A, %cond3A : i32
      scf.if %cond3A_77 {
        %dma_wait3A_200 = arith.constant 0 : i32
        %dma_wait3A_201 = arith.constant 0 : i32
        %dma_wait3A_202 = tpu.memref_slice %arg4[%dma_wait3A_200, %dma_wait3A_201] : memref<21504x2048xf32, #tpu.memory_space<hbm>> -> memref<8x2048xf32, #tpu.memory_space<hbm>>
        %dma_wait3A_203 = arith.constant 0 : i32
        %dma_wait3A_204 = arith.constant 0 : i32
        %dma_wait3A_205 = tpu.memref_slice %arg4[%dma_wait3A_203, %dma_wait3A_204] : memref<21504x2048xf32, #tpu.memory_space<hbm>> -> memref<8x2048xf32, #tpu.memory_space<hbm>>
        tpu.wait_dma2 semaphore(%arg15 : memref<!tpu.dma_semaphore, #tpu.memory_space<semaphore_mem>>) src(%arg9 : memref<8x2048xf32, #tpu.memory_space<vmem>>) dst(%dma_wait3A_205 : memref<8x2048xf32, #tpu.memory_space<hbm>>)
      } else {
      }
      %parallel_loop3A = arith.constant 0 : i32
      %parallel_loop3A_78 = arith.constant 128 : i32
      %parallel_loop3A_79 = arith.constant 1 : i32
      scf.for %parallel_loop3A_200 = %parallel_loop3A to %parallel_loop3A_78 step %parallel_loop3A_79  : i32 {
        %parallel_loop3A_201 = arith.constant 16 : i32
        %parallel_loop3A_202 = arith.muli %parallel_loop3A_200, %parallel_loop3A_201 : i32
        %parallel_loop3A_203 = arith.index_cast %squeeze3A : i32 to index
        %parallel_loop3A_204 = arith.index_cast %parallel_loop3A_202 : i32 to index
        %parallel_loop3A_205 = tpu.vector_load %arg6[%parallel_loop3A_203, %parallel_loop3A_204] {strides = array<i32>} : memref<8x2048xf32, #tpu.memory_space<vmem>>, vector<16xf32>,
        %parallel_loop3A_206 = arith.constant 0 : i32
        %parallel_loop3A_207 = arith.index_cast %parallel_loop3A_206 : i32 to index
        %parallel_loop3A_208 = arith.index_cast %parallel_loop3A_202 : i32 to index
        %parallel_loop3A_209 = tpu.vector_load %arg9[%parallel_loop3A_207, %parallel_loop3A_208] {strides = array<i32>} : memref<8x2048xf32, #tpu.memory_space<vmem>>, vector<16xf32>,
        tpu.vector_store %arg9[%parallel_loop3A_207, %parallel_loop3A_208], %parallel_loop3A_205 {strides = array<i32>} : memref<8x2048xf32, #tpu.memory_space<vmem>>, vector<16xf32>,
        %parallel_loop3A_210 = arith.index_cast %squeeze3A_57 : i32 to index
        %parallel_loop3A_211 = arith.index_cast %parallel_loop3A_202 : i32 to index
        %parallel_loop3A_212 = tpu.vector_load %arg6[%parallel_loop3A_210, %parallel_loop3A_211] {strides = array<i32>} : memref<8x2048xf32, #tpu.memory_space<vmem>>, vector<16xf32>,
        %parallel_loop3A_213 = arith.constant 1 : i32
        %parallel_loop3A_214 = arith.index_cast %parallel_loop3A_213 : i32 to index
        %parallel_loop3A_215 = arith.index_cast %parallel_loop3A_202 : i32 to index
        %parallel_loop3A_216 = tpu.vector_load %arg9[%parallel_loop3A_214, %parallel_loop3A_215] {strides = array<i32>} : memref<8x2048xf32, #tpu.memory_space<vmem>>, vector<16xf32>,
        tpu.vector_store %arg9[%parallel_loop3A_214, %parallel_loop3A_215], %parallel_loop3A_212 {strides = array<i32>} : memref<8x2048xf32, #tpu.memory_space<vmem>>, vector<16xf32>,
        %parallel_loop3A_217 = arith.index_cast %squeeze3A_59 : i32 to index
        %parallel_loop3A_218 = arith.index_cast %parallel_loop3A_202 : i32 to index
        %parallel_loop3A_219 = tpu.vector_load %arg6[%parallel_loop3A_217, %parallel_loop3A_218] {strides = array<i32>} : memref<8x2048xf32, #tpu.memory_space<vmem>>, vector<16xf32>,
        %parallel_loop3A_220 = arith.constant 2 : i32
        %parallel_loop3A_221 = arith.index_cast %parallel_loop3A_220 : i32 to index
        %parallel_loop3A_222 = arith.index_cast %parallel_loop3A_202 : i32 to index
        %parallel_loop3A_223 = tpu.vector_load %arg9[%parallel_loop3A_221, %parallel_loop3A_222] {strides = array<i32>} : memref<8x2048xf32, #tpu.memory_space<vmem>>, vector<16xf32>,
        tpu.vector_store %arg9[%parallel_loop3A_221, %parallel_loop3A_222], %parallel_loop3A_219 {strides = array<i32>} : memref<8x2048xf32, #tpu.memory_space<vmem>>, vector<16xf32>,
        %parallel_loop3A_224 = arith.index_cast %squeeze3A_61 : i32 to index
        %parallel_loop3A_225 = arith.index_cast %parallel_loop3A_202 : i32 to index
        %parallel_loop3A_226 = tpu.vector_load %arg6[%parallel_loop3A_224, %parallel_loop3A_225] {strides = array<i32>} : memref<8x2048xf32, #tpu.memory_space<vmem>>, vector<16xf32>,
        %parallel_loop3A_227 = arith.constant 3 : i32
        %parallel_loop3A_228 = arith.index_cast %parallel_loop3A_227 : i32 to index
        %parallel_loop3A_229 = arith.index_cast %parallel_loop3A_202 : i32 to index
        %parallel_loop3A_230 = tpu.vector_load %arg9[%parallel_loop3A_228, %parallel_loop3A_229] {strides = array<i32>} : memref<8x2048xf32, #tpu.memory_space<vmem>>, vector<16xf32>,
        tpu.vector_store %arg9[%parallel_loop3A_228, %parallel_loop3A_229], %parallel_loop3A_226 {strides = array<i32>} : memref<8x2048xf32, #tpu.memory_space<vmem>>, vector<16xf32>,
        %parallel_loop3A_231 = arith.index_cast %squeeze3A_63 : i32 to index
        %parallel_loop3A_232 = arith.index_cast %parallel_loop3A_202 : i32 to index
        %parallel_loop3A_233 = tpu.vector_load %arg6[%parallel_loop3A_231, %parallel_loop3A_232] {strides = array<i32>} : memref<8x2048xf32, #tpu.memory_space<vmem>>, vector<16xf32>,
        %parallel_loop3A_234 = arith.constant 4 : i32
        %parallel_loop3A_235 = arith.index_cast %parallel_loop3A_234 : i32 to index
        %parallel_loop3A_236 = arith.index_cast %parallel_loop3A_202 : i32 to index
        %parallel_loop3A_237 = tpu.vector_load %arg9[%parallel_loop3A_235, %parallel_loop3A_236] {strides = array<i32>} : memref<8x2048xf32, #tpu.memory_space<vmem>>, vector<16xf32>,
        tpu.vector_store %arg9[%parallel_loop3A_235, %parallel_loop3A_236], %parallel_loop3A_233 {strides = array<i32>} : memref<8x2048xf32, #tpu.memory_space<vmem>>, vector<16xf32>,
        %parallel_loop3A_238 = arith.index_cast %squeeze3A_65 : i32 to index
        %parallel_loop3A_239 = arith.index_cast %parallel_loop3A_202 : i32 to index
        %parallel_loop3A_240 = tpu.vector_load %arg6[%parallel_loop3A_238, %parallel_loop3A_239] {strides = array<i32>} : memref<8x2048xf32, #tpu.memory_space<vmem>>, vector<16xf32>,
        %parallel_loop3A_241 = arith.constant 5 : i32
        %parallel_loop3A_242 = arith.index_cast %parallel_loop3A_241 : i32 to index
        %parallel_loop3A_243 = arith.index_cast %parallel_loop3A_202 : i32 to index
        %parallel_loop3A_244 = tpu.vector_load %arg9[%parallel_loop3A_242, %parallel_loop3A_243] {strides = array<i32>} : memref<8x2048xf32, #tpu.memory_space<vmem>>, vector<16xf32>,
        tpu.vector_store %arg9[%parallel_loop3A_242, %parallel_loop3A_243], %parallel_loop3A_240 {strides = array<i32>} : memref<8x2048xf32, #tpu.memory_space<vmem>>, vector<16xf32>,
        %parallel_loop3A_245 = arith.index_cast %squeeze3A_67 : i32 to index
        %parallel_loop3A_246 = arith.index_cast %parallel_loop3A_202 : i32 to index
        %parallel_loop3A_247 = tpu.vector_load %arg6[%parallel_loop3A_245, %parallel_loop3A_246] {strides = array<i32>} : memref<8x2048xf32, #tpu.memory_space<vmem>>, vector<16xf32>,
        %parallel_loop3A_248 = arith.constant 6 : i32
        %parallel_loop3A_249 = arith.index_cast %parallel_loop3A_248 : i32 to index
        %parallel_loop3A_250 = arith.index_cast %parallel_loop3A_202 : i32 to index
        %parallel_loop3A_251 = tpu.vector_load %arg9[%parallel_loop3A_249, %parallel_loop3A_250] {strides = array<i32>} : memref<8x2048xf32, #tpu.memory_space<vmem>>, vector<16xf32>,
        tpu.vector_store %arg9[%parallel_loop3A_249, %parallel_loop3A_250], %parallel_loop3A_247 {strides = array<i32>} : memref<8x2048xf32, #tpu.memory_space<vmem>>, vector<16xf32>,
        %parallel_loop3A_252 = arith.index_cast %squeeze3A_69 : i32 to index
        %parallel_loop3A_253 = arith.index_cast %parallel_loop3A_202 : i32 to index
        %parallel_loop3A_254 = tpu.vector_load %arg6[%parallel_loop3A_252, %parallel_loop3A_253] {strides = array<i32>} : memref<8x2048xf32, #tpu.memory_space<vmem>>, vector<16xf32>,
        %parallel_loop3A_255 = arith.constant 7 : i32
        %parallel_loop3A_256 = arith.index_cast %parallel_loop3A_255 : i32 to index
        %parallel_loop3A_257 = arith.index_cast %parallel_loop3A_202 : i32 to index
        %parallel_loop3A_258 = tpu.vector_load %arg9[%parallel_loop3A_256, %parallel_loop3A_257] {strides = array<i32>} : memref<8x2048xf32, #tpu.memory_space<vmem>>, vector<16xf32>,
        tpu.vector_store %arg9[%parallel_loop3A_256, %parallel_loop3A_257], %parallel_loop3A_254 {strides = array<i32>} : memref<8x2048xf32, #tpu.memory_space<vmem>>, vector<16xf32>,
      } {sc.loop_unroll_factor = 2 : i64, sc.parallel_access}
      %mul3A_80 = arith.constant 8 : i32
      %mul3A_81 = arith.muli %add3A_51, %mul3A_80 : i32
      %dma_start3A_82 = arith.constant 0 : i32
      %dma_start3A_83 = tpu.memref_slice %arg4[%mul3A_81, %dma_start3A_82] : memref<21504x2048xf32, #tpu.memory_space<hbm>> -> memref<8x2048xf32, #tpu.memory_space<hbm>>
      %dma_start3A_84 = arith.constant 0 : i32
      %dma_start3A_85 = tpu.memref_slice %arg4[%mul3A_81, %dma_start3A_84] : memref<21504x2048xf32, #tpu.memory_space<hbm>> -> memref<8x2048xf32, #tpu.memory_space<hbm>>
      tpu.enqueue_dma source(%arg9 : memref<8x2048xf32, #tpu.memory_space<vmem>>) target(%dma_start3A_85 : memref<8x2048xf32, #tpu.memory_space<hbm>>) target_semaphore(%arg15 : memref<!tpu.dma_semaphore, #tpu.memory_space<semaphore_mem>>)
      %add3A_86 = arith.constant 1 : i32
      %add3A_87 = arith.addi %scan3A_46, %add3A_86 : i32
      %lt3A = arith.constant 28 : i32
      %lt3A_88 = arith.cmpi slt, %add3A_87, %lt3A : i32
      %convert_element_type3A_89 = arith.extui %lt3A_88 : i1 to i32
      %cond3A_90 = arith.constant 0 : i32
      %cond3A_91 = arith.cmpi ne, %convert_element_type3A_89, %cond3A_90 : i32
      scf.if %cond3A_91 {
        %add3A_200 = arith.constant 3 : i32
        %add3A_201 = arith.addi %add3A_51, %add3A_200 : i32
        %mul3A_202 = arith.constant 8 : i32
        %mul3A_203 = arith.muli %add3A_201, %mul3A_202 : i32
        %dma_start3A_204 = arith.constant 0 : i32
        %dma_start3A_205 = tpu.memref_slice %arg2[%mul3A_203, %dma_start3A_204] : memref<21504x2048xf32, #tpu.memory_space<hbm>> -> memref<8x2048xf32, #tpu.memory_space<hbm>>
        %dma_start3A_206 = arith.constant 0 : i32
        %dma_start3A_207 = tpu.memref_slice %arg2[%mul3A_203, %dma_start3A_206] : memref<21504x2048xf32, #tpu.memory_space<hbm>> -> memref<8x2048xf32, #tpu.memory_space<hbm>>
        tpu.enqueue_dma source(%dma_start3A_207 : memref<8x2048xf32, #tpu.memory_space<hbm>>) target(%arg6 : memref<8x2048xf32, #tpu.memory_space<vmem>>) target_semaphore(%arg12 : memref<!tpu.dma_semaphore, #tpu.memory_space<semaphore_mem>>)
      } else {
      }
      %mul3A_92 = arith.constant 3 : i32
      %mul3A_93 = arith.muli %mul3A_92, %scan3A_46 : i32
      %add3A_94 = arith.addi %mul3A_2, %mul3A_93 : i32
      %add3A_95 = arith.constant 1 : i32
      %add3A_96 = arith.addi %add3A_94, %add3A_95 : i32
      %rem3A_97 = arith.constant 42 : i32
      %rem3A_98 = arith.remsi %add3A_96, %rem3A_97 : i32
      %mul3A_99 = arith.constant 16 : i32
      %mul3A_100 = arith.muli %rem3A_98, %mul3A_99 : i32
      %get3A_101 = arith.index_cast %mul3A_100 : i32 to index
      %get3A_102 = tpu.vector_load %arg5[%get3A_101] {strides = array<i32>} : memref<672xi32, #tpu.memory_space<vmem>>, vector<16xi32>,
      %slice3A_103 = vector.extract_strided_slice %get3A_102 {offsets = [0], sizes = [1], strides = [1]} : vector<16xi32> to vector<1xi32>
      %squeeze3A_104 = vector.extract %slice3A_103[0] : i32 from vector<1xi32>
      %slice3A_105 = vector.extract_strided_slice %get3A_102 {offsets = [1], sizes = [1], strides = [1]} : vector<16xi32> to vector<1xi32>
      %squeeze3A_106 = vector.extract %slice3A_105[0] : i32 from vector<1xi32>
      %slice3A_107 = vector.extract_strided_slice %get3A_102 {offsets = [2], sizes = [1], strides = [1]} : vector<16xi32> to vector<1xi32>
      %squeeze3A_108 = vector.extract %slice3A_107[0] : i32 from vector<1xi32>
      %slice3A_109 = vector.extract_strided_slice %get3A_102 {offsets = [3], sizes = [1], strides = [1]} : vector<16xi32> to vector<1xi32>
      %squeeze3A_110 = vector.extract %slice3A_109[0] : i32 from vector<1xi32>
      %slice3A_111 = vector.extract_strided_slice %get3A_102 {offsets = [4], sizes = [1], strides = [1]} : vector<16xi32> to vector<1xi32>
      %squeeze3A_112 = vector.extract %slice3A_111[0] : i32 from vector<1xi32>
      %slice3A_113 = vector.extract_strided_slice %get3A_102 {offsets = [5], sizes = [1], strides = [1]} : vector<16xi32> to vector<1xi32>
      %squeeze3A_114 = vector.extract %slice3A_113[0] : i32 from vector<1xi32>
      %slice3A_115 = vector.extract_strided_slice %get3A_102 {offsets = [6], sizes = [1], strides = [1]} : vector<16xi32> to vector<1xi32>
      %squeeze3A_116 = vector.extract %slice3A_115[0] : i32 from vector<1xi32>
      %slice3A_117 = vector.extract_strided_slice %get3A_102 {offsets = [7], sizes = [1], strides = [1]} : vector<16xi32> to vector<1xi32>
      %squeeze3A_118 = vector.extract %slice3A_117[0] : i32 from vector<1xi32>
      %dma_wait3A_119 = arith.constant 0 : i32
      %dma_wait3A_120 = arith.constant 0 : i32
      %dma_wait3A_121 = tpu.memref_slice %arg2[%dma_wait3A_119, %dma_wait3A_120] : memref<21504x2048xf32, #tpu.memory_space<hbm>> -> memref<8x2048xf32, #tpu.memory_space<hbm>>
      %dma_wait3A_122 = arith.constant 0 : i32
      %dma_wait3A_123 = arith.constant 0 : i32
      %dma_wait3A_124 = tpu.memref_slice %arg2[%dma_wait3A_122, %dma_wait3A_123] : memref<21504x2048xf32, #tpu.memory_space<hbm>> -> memref<8x2048xf32, #tpu.memory_space<hbm>>
      tpu.wait_dma2 semaphore(%arg13 : memref<!tpu.dma_semaphore, #tpu.memory_space<semaphore_mem>>) src(%dma_wait3A_124 : memref<8x2048xf32, #tpu.memory_space<hbm>>) dst(%arg7 : memref<8x2048xf32, #tpu.memory_space<vmem>>)
      %gt3A_125 = arith.constant 0 : i32
      %gt3A_126 = arith.cmpi sgt, %scan3A_46, %gt3A_125 : i32
      %convert_element_type3A_127 = arith.extui %gt3A_126 : i1 to i32
      %cond3A_128 = arith.constant 0 : i32
      %cond3A_129 = arith.cmpi ne, %convert_element_type3A_127, %cond3A_128 : i32
      scf.if %cond3A_129 {
        %dma_wait3A_200 = arith.constant 0 : i32
        %dma_wait3A_201 = arith.constant 0 : i32
        %dma_wait3A_202 = tpu.memref_slice %arg4[%dma_wait3A_200, %dma_wait3A_201] : memref<21504x2048xf32, #tpu.memory_space<hbm>> -> memref<8x2048xf32, #tpu.memory_space<hbm>>
        %dma_wait3A_203 = arith.constant 0 : i32
        %dma_wait3A_204 = arith.constant 0 : i32
        %dma_wait3A_205 = tpu.memref_slice %arg4[%dma_wait3A_203, %dma_wait3A_204] : memref<21504x2048xf32, #tpu.memory_space<hbm>> -> memref<8x2048xf32, #tpu.memory_space<hbm>>
        tpu.wait_dma2 semaphore(%arg16 : memref<!tpu.dma_semaphore, #tpu.memory_space<semaphore_mem>>) src(%arg10 : memref<8x2048xf32, #tpu.memory_space<vmem>>) dst(%dma_wait3A_205 : memref<8x2048xf32, #tpu.memory_space<hbm>>)
      } else {
      }
      %parallel_loop3A_130 = arith.constant 0 : i32
      %parallel_loop3A_131 = arith.constant 128 : i32
      %parallel_loop3A_132 = arith.constant 1 : i32
      scf.for %parallel_loop3A_200 = %parallel_loop3A_130 to %parallel_loop3A_131 step %parallel_loop3A_132  : i32 {
        %parallel_loop3A_201 = arith.constant 16 : i32
        %parallel_loop3A_202 = arith.muli %parallel_loop3A_200, %parallel_loop3A_201 : i32
        %parallel_loop3A_203 = arith.index_cast %squeeze3A_104 : i32 to index
        %parallel_loop3A_204 = arith.index_cast %parallel_loop3A_202 : i32 to index
        %parallel_loop3A_205 = tpu.vector_load %arg7[%parallel_loop3A_203, %parallel_loop3A_204] {strides = array<i32>} : memref<8x2048xf32, #tpu.memory_space<vmem>>, vector<16xf32>,
        %parallel_loop3A_206 = arith.constant 0 : i32
        %parallel_loop3A_207 = arith.index_cast %parallel_loop3A_206 : i32 to index
        %parallel_loop3A_208 = arith.index_cast %parallel_loop3A_202 : i32 to index
        %parallel_loop3A_209 = tpu.vector_load %arg10[%parallel_loop3A_207, %parallel_loop3A_208] {strides = array<i32>} : memref<8x2048xf32, #tpu.memory_space<vmem>>, vector<16xf32>,
        tpu.vector_store %arg10[%parallel_loop3A_207, %parallel_loop3A_208], %parallel_loop3A_205 {strides = array<i32>} : memref<8x2048xf32, #tpu.memory_space<vmem>>, vector<16xf32>,
        %parallel_loop3A_210 = arith.index_cast %squeeze3A_106 : i32 to index
        %parallel_loop3A_211 = arith.index_cast %parallel_loop3A_202 : i32 to index
        %parallel_loop3A_212 = tpu.vector_load %arg7[%parallel_loop3A_210, %parallel_loop3A_211] {strides = array<i32>} : memref<8x2048xf32, #tpu.memory_space<vmem>>, vector<16xf32>,
        %parallel_loop3A_213 = arith.constant 1 : i32
        %parallel_loop3A_214 = arith.index_cast %parallel_loop3A_213 : i32 to index
        %parallel_loop3A_215 = arith.index_cast %parallel_loop3A_202 : i32 to index
        %parallel_loop3A_216 = tpu.vector_load %arg10[%parallel_loop3A_214, %parallel_loop3A_215] {strides = array<i32>} : memref<8x2048xf32, #tpu.memory_space<vmem>>, vector<16xf32>,
        tpu.vector_store %arg10[%parallel_loop3A_214, %parallel_loop3A_215], %parallel_loop3A_212 {strides = array<i32>} : memref<8x2048xf32, #tpu.memory_space<vmem>>, vector<16xf32>,
        %parallel_loop3A_217 = arith.index_cast %squeeze3A_108 : i32 to index
        %parallel_loop3A_218 = arith.index_cast %parallel_loop3A_202 : i32 to index
        %parallel_loop3A_219 = tpu.vector_load %arg7[%parallel_loop3A_217, %parallel_loop3A_218] {strides = array<i32>} : memref<8x2048xf32, #tpu.memory_space<vmem>>, vector<16xf32>,
        %parallel_loop3A_220 = arith.constant 2 : i32
        %parallel_loop3A_221 = arith.index_cast %parallel_loop3A_220 : i32 to index
        %parallel_loop3A_222 = arith.index_cast %parallel_loop3A_202 : i32 to index
        %parallel_loop3A_223 = tpu.vector_load %arg10[%parallel_loop3A_221, %parallel_loop3A_222] {strides = array<i32>} : memref<8x2048xf32, #tpu.memory_space<vmem>>, vector<16xf32>,
        tpu.vector_store %arg10[%parallel_loop3A_221, %parallel_loop3A_222], %parallel_loop3A_219 {strides = array<i32>} : memref<8x2048xf32, #tpu.memory_space<vmem>>, vector<16xf32>,
        %parallel_loop3A_224 = arith.index_cast %squeeze3A_110 : i32 to index
        %parallel_loop3A_225 = arith.index_cast %parallel_loop3A_202 : i32 to index
        %parallel_loop3A_226 = tpu.vector_load %arg7[%parallel_loop3A_224, %parallel_loop3A_225] {strides = array<i32>} : memref<8x2048xf32, #tpu.memory_space<vmem>>, vector<16xf32>,
        %parallel_loop3A_227 = arith.constant 3 : i32
        %parallel_loop3A_228 = arith.index_cast %parallel_loop3A_227 : i32 to index
        %parallel_loop3A_229 = arith.index_cast %parallel_loop3A_202 : i32 to index
        %parallel_loop3A_230 = tpu.vector_load %arg10[%parallel_loop3A_228, %parallel_loop3A_229] {strides = array<i32>} : memref<8x2048xf32, #tpu.memory_space<vmem>>, vector<16xf32>,
        tpu.vector_store %arg10[%parallel_loop3A_228, %parallel_loop3A_229], %parallel_loop3A_226 {strides = array<i32>} : memref<8x2048xf32, #tpu.memory_space<vmem>>, vector<16xf32>,
        %parallel_loop3A_231 = arith.index_cast %squeeze3A_112 : i32 to index
        %parallel_loop3A_232 = arith.index_cast %parallel_loop3A_202 : i32 to index
        %parallel_loop3A_233 = tpu.vector_load %arg7[%parallel_loop3A_231, %parallel_loop3A_232] {strides = array<i32>} : memref<8x2048xf32, #tpu.memory_space<vmem>>, vector<16xf32>,
        %parallel_loop3A_234 = arith.constant 4 : i32
        %parallel_loop3A_235 = arith.index_cast %parallel_loop3A_234 : i32 to index
        %parallel_loop3A_236 = arith.index_cast %parallel_loop3A_202 : i32 to index
        %parallel_loop3A_237 = tpu.vector_load %arg10[%parallel_loop3A_235, %parallel_loop3A_236] {strides = array<i32>} : memref<8x2048xf32, #tpu.memory_space<vmem>>, vector<16xf32>,
        tpu.vector_store %arg10[%parallel_loop3A_235, %parallel_loop3A_236], %parallel_loop3A_233 {strides = array<i32>} : memref<8x2048xf32, #tpu.memory_space<vmem>>, vector<16xf32>,
        %parallel_loop3A_238 = arith.index_cast %squeeze3A_114 : i32 to index
        %parallel_loop3A_239 = arith.index_cast %parallel_loop3A_202 : i32 to index
        %parallel_loop3A_240 = tpu.vector_load %arg7[%parallel_loop3A_238, %parallel_loop3A_239] {strides = array<i32>} : memref<8x2048xf32, #tpu.memory_space<vmem>>, vector<16xf32>,
        %parallel_loop3A_241 = arith.constant 5 : i32
        %parallel_loop3A_242 = arith.index_cast %parallel_loop3A_241 : i32 to index
        %parallel_loop3A_243 = arith.index_cast %parallel_loop3A_202 : i32 to index
        %parallel_loop3A_244 = tpu.vector_load %arg10[%parallel_loop3A_242, %parallel_loop3A_243] {strides = array<i32>} : memref<8x2048xf32, #tpu.memory_space<vmem>>, vector<16xf32>,
        tpu.vector_store %arg10[%parallel_loop3A_242, %parallel_loop3A_243], %parallel_loop3A_240 {strides = array<i32>} : memref<8x2048xf32, #tpu.memory_space<vmem>>, vector<16xf32>,
        %parallel_loop3A_245 = arith.index_cast %squeeze3A_116 : i32 to index
        %parallel_loop3A_246 = arith.index_cast %parallel_loop3A_202 : i32 to index
        %parallel_loop3A_247 = tpu.vector_load %arg7[%parallel_loop3A_245, %parallel_loop3A_246] {strides = array<i32>} : memref<8x2048xf32, #tpu.memory_space<vmem>>, vector<16xf32>,
        %parallel_loop3A_248 = arith.constant 6 : i32
        %parallel_loop3A_249 = arith.index_cast %parallel_loop3A_248 : i32 to index
        %parallel_loop3A_250 = arith.index_cast %parallel_loop3A_202 : i32 to index
        %parallel_loop3A_251 = tpu.vector_load %arg10[%parallel_loop3A_249, %parallel_loop3A_250] {strides = array<i32>} : memref<8x2048xf32, #tpu.memory_space<vmem>>, vector<16xf32>,
        tpu.vector_store %arg10[%parallel_loop3A_249, %parallel_loop3A_250], %parallel_loop3A_247 {strides = array<i32>} : memref<8x2048xf32, #tpu.memory_space<vmem>>, vector<16xf32>,
        %parallel_loop3A_252 = arith.index_cast %squeeze3A_118 : i32 to index
        %parallel_loop3A_253 = arith.index_cast %parallel_loop3A_202 : i32 to index
        %parallel_loop3A_254 = tpu.vector_load %arg7[%parallel_loop3A_252, %parallel_loop3A_253] {strides = array<i32>} : memref<8x2048xf32, #tpu.memory_space<vmem>>, vector<16xf32>,
        %parallel_loop3A_255 = arith.constant 7 : i32
        %parallel_loop3A_256 = arith.index_cast %parallel_loop3A_255 : i32 to index
        %parallel_loop3A_257 = arith.index_cast %parallel_loop3A_202 : i32 to index
        %parallel_loop3A_258 = tpu.vector_load %arg10[%parallel_loop3A_256, %parallel_loop3A_257] {strides = array<i32>} : memref<8x2048xf32, #tpu.memory_space<vmem>>, vector<16xf32>,
        tpu.vector_store %arg10[%parallel_loop3A_256, %parallel_loop3A_257], %parallel_loop3A_254 {strides = array<i32>} : memref<8x2048xf32, #tpu.memory_space<vmem>>, vector<16xf32>,
      } {sc.loop_unroll_factor = 2 : i64, sc.parallel_access}
      %mul3A_133 = arith.constant 8 : i32
      %mul3A_134 = arith.muli %add3A_96, %mul3A_133 : i32
      %dma_start3A_135 = arith.constant 0 : i32
      %dma_start3A_136 = tpu.memref_slice %arg4[%mul3A_134, %dma_start3A_135] : memref<21504x2048xf32, #tpu.memory_space<hbm>> -> memref<8x2048xf32, #tpu.memory_space<hbm>>
      %dma_start3A_137 = arith.constant 0 : i32
      %dma_start3A_138 = tpu.memref_slice %arg4[%mul3A_134, %dma_start3A_137] : memref<21504x2048xf32, #tpu.memory_space<hbm>> -> memref<8x2048xf32, #tpu.memory_space<hbm>>
      tpu.enqueue_dma source(%arg10 : memref<8x2048xf32, #tpu.memory_space<vmem>>) target(%dma_start3A_138 : memref<8x2048xf32, #tpu.memory_space<hbm>>) target_semaphore(%arg16 : memref<!tpu.dma_semaphore, #tpu.memory_space<semaphore_mem>>)
      %add3A_139 = arith.constant 1 : i32
      %add3A_140 = arith.addi %scan3A_46, %add3A_139 : i32
      %lt3A_141 = arith.constant 28 : i32
      %lt3A_142 = arith.cmpi slt, %add3A_140, %lt3A_141 : i32
      %convert_element_type3A_143 = arith.extui %lt3A_142 : i1 to i32
      %cond3A_144 = arith.constant 0 : i32
      %cond3A_145 = arith.cmpi ne, %convert_element_type3A_143, %cond3A_144 : i32
      scf.if %cond3A_145 {
        %add3A_200 = arith.constant 3 : i32
        %add3A_201 = arith.addi %add3A_96, %add3A_200 : i32
        %mul3A_202 = arith.constant 8 : i32
        %mul3A_203 = arith.muli %add3A_201, %mul3A_202 : i32
        %dma_start3A_204 = arith.constant 0 : i32
        %dma_start3A_205 = tpu.memref_slice %arg2[%mul3A_203, %dma_start3A_204] : memref<21504x2048xf32, #tpu.memory_space<hbm>> -> memref<8x2048xf32, #tpu.memory_space<hbm>>
        %dma_start3A_206 = arith.constant 0 : i32
        %dma_start3A_207 = tpu.memref_slice %arg2[%mul3A_203, %dma_start3A_206] : memref<21504x2048xf32, #tpu.memory_space<hbm>> -> memref<8x2048xf32, #tpu.memory_space<hbm>>
        tpu.enqueue_dma source(%dma_start3A_207 : memref<8x2048xf32, #tpu.memory_space<hbm>>) target(%arg7 : memref<8x2048xf32, #tpu.memory_space<vmem>>) target_semaphore(%arg13 : memref<!tpu.dma_semaphore, #tpu.memory_space<semaphore_mem>>)
      } else {
      }
      %mul3A_146 = arith.constant 3 : i32
      %mul3A_147 = arith.muli %mul3A_146, %scan3A_46 : i32
      %add3A_148 = arith.addi %mul3A_2, %mul3A_147 : i32
      %add3A_149 = arith.constant 2 : i32
      %add3A_150 = arith.addi %add3A_148, %add3A_149 : i32
      %rem3A_151 = arith.constant 42 : i32
      %rem3A_152 = arith.remsi %add3A_150, %rem3A_151 : i32
      %mul3A_153 = arith.constant 16 : i32
      %mul3A_154 = arith.muli %rem3A_152, %mul3A_153 : i32
      %get3A_155 = arith.index_cast %mul3A_154 : i32 to index
      %get3A_156 = tpu.vector_load %arg5[%get3A_155] {strides = array<i32>} : memref<672xi32, #tpu.memory_space<vmem>>, vector<16xi32>,
      %slice3A_157 = vector.extract_strided_slice %get3A_156 {offsets = [0], sizes = [1], strides = [1]} : vector<16xi32> to vector<1xi32>
      %squeeze3A_158 = vector.extract %slice3A_157[0] : i32 from vector<1xi32>
      %slice3A_159 = vector.extract_strided_slice %get3A_156 {offsets = [1], sizes = [1], strides = [1]} : vector<16xi32> to vector<1xi32>
      %squeeze3A_160 = vector.extract %slice3A_159[0] : i32 from vector<1xi32>
      %slice3A_161 = vector.extract_strided_slice %get3A_156 {offsets = [2], sizes = [1], strides = [1]} : vector<16xi32> to vector<1xi32>
      %squeeze3A_162 = vector.extract %slice3A_161[0] : i32 from vector<1xi32>
      %slice3A_163 = vector.extract_strided_slice %get3A_156 {offsets = [3], sizes = [1], strides = [1]} : vector<16xi32> to vector<1xi32>
      %squeeze3A_164 = vector.extract %slice3A_163[0] : i32 from vector<1xi32>
      %slice3A_165 = vector.extract_strided_slice %get3A_156 {offsets = [4], sizes = [1], strides = [1]} : vector<16xi32> to vector<1xi32>
      %squeeze3A_166 = vector.extract %slice3A_165[0] : i32 from vector<1xi32>
      %slice3A_167 = vector.extract_strided_slice %get3A_156 {offsets = [5], sizes = [1], strides = [1]} : vector<16xi32> to vector<1xi32>
      %squeeze3A_168 = vector.extract %slice3A_167[0] : i32 from vector<1xi32>
      %slice3A_169 = vector.extract_strided_slice %get3A_156 {offsets = [6], sizes = [1], strides = [1]} : vector<16xi32> to vector<1xi32>
      %squeeze3A_170 = vector.extract %slice3A_169[0] : i32 from vector<1xi32>
      %slice3A_171 = vector.extract_strided_slice %get3A_156 {offsets = [7], sizes = [1], strides = [1]} : vector<16xi32> to vector<1xi32>
      %squeeze3A_172 = vector.extract %slice3A_171[0] : i32 from vector<1xi32>
      %dma_wait3A_173 = arith.constant 0 : i32
      %dma_wait3A_174 = arith.constant 0 : i32
      %dma_wait3A_175 = tpu.memref_slice %arg2[%dma_wait3A_173, %dma_wait3A_174] : memref<21504x2048xf32, #tpu.memory_space<hbm>> -> memref<8x2048xf32, #tpu.memory_space<hbm>>
      %dma_wait3A_176 = arith.constant 0 : i32
      %dma_wait3A_177 = arith.constant 0 : i32
      %dma_wait3A_178 = tpu.memref_slice %arg2[%dma_wait3A_176, %dma_wait3A_177] : memref<21504x2048xf32, #tpu.memory_space<hbm>> -> memref<8x2048xf32, #tpu.memory_space<hbm>>
      tpu.wait_dma2 semaphore(%arg14 : memref<!tpu.dma_semaphore, #tpu.memory_space<semaphore_mem>>) src(%dma_wait3A_178 : memref<8x2048xf32, #tpu.memory_space<hbm>>) dst(%arg8 : memref<8x2048xf32, #tpu.memory_space<vmem>>)
      %gt3A_179 = arith.constant 0 : i32
      %gt3A_180 = arith.cmpi sgt, %scan3A_46, %gt3A_179 : i32
      %convert_element_type3A_181 = arith.extui %gt3A_180 : i1 to i32
      %cond3A_182 = arith.constant 0 : i32
      %cond3A_183 = arith.cmpi ne, %convert_element_type3A_181, %cond3A_182 : i32
      scf.if %cond3A_183 {
        %dma_wait3A_200 = arith.constant 0 : i32
        %dma_wait3A_201 = arith.constant 0 : i32
        %dma_wait3A_202 = tpu.memref_slice %arg4[%dma_wait3A_200, %dma_wait3A_201] : memref<21504x2048xf32, #tpu.memory_space<hbm>> -> memref<8x2048xf32, #tpu.memory_space<hbm>>
        %dma_wait3A_203 = arith.constant 0 : i32
        %dma_wait3A_204 = arith.constant 0 : i32
        %dma_wait3A_205 = tpu.memref_slice %arg4[%dma_wait3A_203, %dma_wait3A_204] : memref<21504x2048xf32, #tpu.memory_space<hbm>> -> memref<8x2048xf32, #tpu.memory_space<hbm>>
        tpu.wait_dma2 semaphore(%arg17 : memref<!tpu.dma_semaphore, #tpu.memory_space<semaphore_mem>>) src(%arg11 : memref<8x2048xf32, #tpu.memory_space<vmem>>) dst(%dma_wait3A_205 : memref<8x2048xf32, #tpu.memory_space<hbm>>)
      } else {
      }
      %parallel_loop3A_184 = arith.constant 0 : i32
      %parallel_loop3A_185 = arith.constant 128 : i32
      %parallel_loop3A_186 = arith.constant 1 : i32
      scf.for %parallel_loop3A_200 = %parallel_loop3A_184 to %parallel_loop3A_185 step %parallel_loop3A_186  : i32 {
        %parallel_loop3A_201 = arith.constant 16 : i32
        %parallel_loop3A_202 = arith.muli %parallel_loop3A_200, %parallel_loop3A_201 : i32
        %parallel_loop3A_203 = arith.index_cast %squeeze3A_158 : i32 to index
        %parallel_loop3A_204 = arith.index_cast %parallel_loop3A_202 : i32 to index
        %parallel_loop3A_205 = tpu.vector_load %arg8[%parallel_loop3A_203, %parallel_loop3A_204] {strides = array<i32>} : memref<8x2048xf32, #tpu.memory_space<vmem>>, vector<16xf32>,
        %parallel_loop3A_206 = arith.constant 0 : i32
        %parallel_loop3A_207 = arith.index_cast %parallel_loop3A_206 : i32 to index
        %parallel_loop3A_208 = arith.index_cast %parallel_loop3A_202 : i32 to index
        %parallel_loop3A_209 = tpu.vector_load %arg11[%parallel_loop3A_207, %parallel_loop3A_208] {strides = array<i32>} : memref<8x2048xf32, #tpu.memory_space<vmem>>, vector<16xf32>,
        tpu.vector_store %arg11[%parallel_loop3A_207, %parallel_loop3A_208], %parallel_loop3A_205 {strides = array<i32>} : memref<8x2048xf32, #tpu.memory_space<vmem>>, vector<16xf32>,
        %parallel_loop3A_210 = arith.index_cast %squeeze3A_160 : i32 to index
        %parallel_loop3A_211 = arith.index_cast %parallel_loop3A_202 : i32 to index
        %parallel_loop3A_212 = tpu.vector_load %arg8[%parallel_loop3A_210, %parallel_loop3A_211] {strides = array<i32>} : memref<8x2048xf32, #tpu.memory_space<vmem>>, vector<16xf32>,
        %parallel_loop3A_213 = arith.constant 1 : i32
        %parallel_loop3A_214 = arith.index_cast %parallel_loop3A_213 : i32 to index
        %parallel_loop3A_215 = arith.index_cast %parallel_loop3A_202 : i32 to index
        %parallel_loop3A_216 = tpu.vector_load %arg11[%parallel_loop3A_214, %parallel_loop3A_215] {strides = array<i32>} : memref<8x2048xf32, #tpu.memory_space<vmem>>, vector<16xf32>,
        tpu.vector_store %arg11[%parallel_loop3A_214, %parallel_loop3A_215], %parallel_loop3A_212 {strides = array<i32>} : memref<8x2048xf32, #tpu.memory_space<vmem>>, vector<16xf32>,
        %parallel_loop3A_217 = arith.index_cast %squeeze3A_162 : i32 to index
        %parallel_loop3A_218 = arith.index_cast %parallel_loop3A_202 : i32 to index
        %parallel_loop3A_219 = tpu.vector_load %arg8[%parallel_loop3A_217, %parallel_loop3A_218] {strides = array<i32>} : memref<8x2048xf32, #tpu.memory_space<vmem>>, vector<16xf32>,
        %parallel_loop3A_220 = arith.constant 2 : i32
        %parallel_loop3A_221 = arith.index_cast %parallel_loop3A_220 : i32 to index
        %parallel_loop3A_222 = arith.index_cast %parallel_loop3A_202 : i32 to index
        %parallel_loop3A_223 = tpu.vector_load %arg11[%parallel_loop3A_221, %parallel_loop3A_222] {strides = array<i32>} : memref<8x2048xf32, #tpu.memory_space<vmem>>, vector<16xf32>,
        tpu.vector_store %arg11[%parallel_loop3A_221, %parallel_loop3A_222], %parallel_loop3A_219 {strides = array<i32>} : memref<8x2048xf32, #tpu.memory_space<vmem>>, vector<16xf32>,
        %parallel_loop3A_224 = arith.index_cast %squeeze3A_164 : i32 to index
        %parallel_loop3A_225 = arith.index_cast %parallel_loop3A_202 : i32 to index
        %parallel_loop3A_226 = tpu.vector_load %arg8[%parallel_loop3A_224, %parallel_loop3A_225] {strides = array<i32>} : memref<8x2048xf32, #tpu.memory_space<vmem>>, vector<16xf32>,
        %parallel_loop3A_227 = arith.constant 3 : i32
        %parallel_loop3A_228 = arith.index_cast %parallel_loop3A_227 : i32 to index
        %parallel_loop3A_229 = arith.index_cast %parallel_loop3A_202 : i32 to index
        %parallel_loop3A_230 = tpu.vector_load %arg11[%parallel_loop3A_228, %parallel_loop3A_229] {strides = array<i32>} : memref<8x2048xf32, #tpu.memory_space<vmem>>, vector<16xf32>,
        tpu.vector_store %arg11[%parallel_loop3A_228, %parallel_loop3A_229], %parallel_loop3A_226 {strides = array<i32>} : memref<8x2048xf32, #tpu.memory_space<vmem>>, vector<16xf32>,
        %parallel_loop3A_231 = arith.index_cast %squeeze3A_166 : i32 to index
        %parallel_loop3A_232 = arith.index_cast %parallel_loop3A_202 : i32 to index
        %parallel_loop3A_233 = tpu.vector_load %arg8[%parallel_loop3A_231, %parallel_loop3A_232] {strides = array<i32>} : memref<8x2048xf32, #tpu.memory_space<vmem>>, vector<16xf32>,
        %parallel_loop3A_234 = arith.constant 4 : i32
        %parallel_loop3A_235 = arith.index_cast %parallel_loop3A_234 : i32 to index
        %parallel_loop3A_236 = arith.index_cast %parallel_loop3A_202 : i32 to index
        %parallel_loop3A_237 = tpu.vector_load %arg11[%parallel_loop3A_235, %parallel_loop3A_236] {strides = array<i32>} : memref<8x2048xf32, #tpu.memory_space<vmem>>, vector<16xf32>,
        tpu.vector_store %arg11[%parallel_loop3A_235, %parallel_loop3A_236], %parallel_loop3A_233 {strides = array<i32>} : memref<8x2048xf32, #tpu.memory_space<vmem>>, vector<16xf32>,
        %parallel_loop3A_238 = arith.index_cast %squeeze3A_168 : i32 to index
        %parallel_loop3A_239 = arith.index_cast %parallel_loop3A_202 : i32 to index
        %parallel_loop3A_240 = tpu.vector_load %arg8[%parallel_loop3A_238, %parallel_loop3A_239] {strides = array<i32>} : memref<8x2048xf32, #tpu.memory_space<vmem>>, vector<16xf32>,
        %parallel_loop3A_241 = arith.constant 5 : i32
        %parallel_loop3A_242 = arith.index_cast %parallel_loop3A_241 : i32 to index
        %parallel_loop3A_243 = arith.index_cast %parallel_loop3A_202 : i32 to index
        %parallel_loop3A_244 = tpu.vector_load %arg11[%parallel_loop3A_242, %parallel_loop3A_243] {strides = array<i32>} : memref<8x2048xf32, #tpu.memory_space<vmem>>, vector<16xf32>,
        tpu.vector_store %arg11[%parallel_loop3A_242, %parallel_loop3A_243], %parallel_loop3A_240 {strides = array<i32>} : memref<8x2048xf32, #tpu.memory_space<vmem>>, vector<16xf32>,
        %parallel_loop3A_245 = arith.index_cast %squeeze3A_170 : i32 to index
        %parallel_loop3A_246 = arith.index_cast %parallel_loop3A_202 : i32 to index
        %parallel_loop3A_247 = tpu.vector_load %arg8[%parallel_loop3A_245, %parallel_loop3A_246] {strides = array<i32>} : memref<8x2048xf32, #tpu.memory_space<vmem>>, vector<16xf32>,
        %parallel_loop3A_248 = arith.constant 6 : i32
        %parallel_loop3A_249 = arith.index_cast %parallel_loop3A_248 : i32 to index
        %parallel_loop3A_250 = arith.index_cast %parallel_loop3A_202 : i32 to index
        %parallel_loop3A_251 = tpu.vector_load %arg11[%parallel_loop3A_249, %parallel_loop3A_250] {strides = array<i32>} : memref<8x2048xf32, #tpu.memory_space<vmem>>, vector<16xf32>,
        tpu.vector_store %arg11[%parallel_loop3A_249, %parallel_loop3A_250], %parallel_loop3A_247 {strides = array<i32>} : memref<8x2048xf32, #tpu.memory_space<vmem>>, vector<16xf32>,
        %parallel_loop3A_252 = arith.index_cast %squeeze3A_172 : i32 to index
        %parallel_loop3A_253 = arith.index_cast %parallel_loop3A_202 : i32 to index
        %parallel_loop3A_254 = tpu.vector_load %arg8[%parallel_loop3A_252, %parallel_loop3A_253] {strides = array<i32>} : memref<8x2048xf32, #tpu.memory_space<vmem>>, vector<16xf32>,
        %parallel_loop3A_255 = arith.constant 7 : i32
        %parallel_loop3A_256 = arith.index_cast %parallel_loop3A_255 : i32 to index
        %parallel_loop3A_257 = arith.index_cast %parallel_loop3A_202 : i32 to index
        %parallel_loop3A_258 = tpu.vector_load %arg11[%parallel_loop3A_256, %parallel_loop3A_257] {strides = array<i32>} : memref<8x2048xf32, #tpu.memory_space<vmem>>, vector<16xf32>,
        tpu.vector_store %arg11[%parallel_loop3A_256, %parallel_loop3A_257], %parallel_loop3A_254 {strides = array<i32>} : memref<8x2048xf32, #tpu.memory_space<vmem>>, vector<16xf32>,
      } {sc.loop_unroll_factor = 2 : i64, sc.parallel_access}
      %mul3A_187 = arith.constant 8 : i32
      %mul3A_188 = arith.muli %add3A_150, %mul3A_187 : i32
      %dma_start3A_189 = arith.constant 0 : i32
      %dma_start3A_190 = tpu.memref_slice %arg4[%mul3A_188, %dma_start3A_189] : memref<21504x2048xf32, #tpu.memory_space<hbm>> -> memref<8x2048xf32, #tpu.memory_space<hbm>>
      %dma_start3A_191 = arith.constant 0 : i32
      %dma_start3A_192 = tpu.memref_slice %arg4[%mul3A_188, %dma_start3A_191] : memref<21504x2048xf32, #tpu.memory_space<hbm>> -> memref<8x2048xf32, #tpu.memory_space<hbm>>
      tpu.enqueue_dma source(%arg11 : memref<8x2048xf32, #tpu.memory_space<vmem>>) target(%dma_start3A_192 : memref<8x2048xf32, #tpu.memory_space<hbm>>) target_semaphore(%arg17 : memref<!tpu.dma_semaphore, #tpu.memory_space<semaphore_mem>>)
      %add3A_193 = arith.constant 1 : i32
      %add3A_194 = arith.addi %scan3A_46, %add3A_193 : i32
      %lt3A_195 = arith.constant 28 : i32
      %lt3A_196 = arith.cmpi slt, %add3A_194, %lt3A_195 : i32
      %convert_element_type3A_197 = arith.extui %lt3A_196 : i1 to i32
      %cond3A_198 = arith.constant 0 : i32
      %cond3A_199 = arith.cmpi ne, %convert_element_type3A_197, %cond3A_198 : i32
      scf.if %cond3A_199 {
        %add3A_200 = arith.constant 3 : i32
        %add3A_201 = arith.addi %add3A_150, %add3A_200 : i32
        %mul3A_202 = arith.constant 8 : i32
        %mul3A_203 = arith.muli %add3A_201, %mul3A_202 : i32
        %dma_start3A_204 = arith.constant 0 : i32
        %dma_start3A_205 = tpu.memref_slice %arg2[%mul3A_203, %dma_start3A_204] : memref<21504x2048xf32, #tpu.memory_space<hbm>> -> memref<8x2048xf32, #tpu.memory_space<hbm>>
        %dma_start3A_206 = arith.constant 0 : i32
        %dma_start3A_207 = tpu.memref_slice %arg2[%mul3A_203, %dma_start3A_206] : memref<21504x2048xf32, #tpu.memory_space<hbm>> -> memref<8x2048xf32, #tpu.memory_space<hbm>>
        tpu.enqueue_dma source(%dma_start3A_207 : memref<8x2048xf32, #tpu.memory_space<hbm>>) target(%arg8 : memref<8x2048xf32, #tpu.memory_space<vmem>>) target_semaphore(%arg14 : memref<!tpu.dma_semaphore, #tpu.memory_space<semaphore_mem>>)
      } else {
      }
    }
    %scan3A_28 = arith.constant 28 : i32
    %dma_wait3A = arith.constant 0 : i32
    %dma_wait3A_29 = arith.constant 0 : i32
    %dma_wait3A_30 = tpu.memref_slice %arg4[%dma_wait3A, %dma_wait3A_29] : memref<21504x2048xf32, #tpu.memory_space<hbm>> -> memref<8x2048xf32, #tpu.memory_space<hbm>>
    %dma_wait3A_31 = arith.constant 0 : i32
    %dma_wait3A_32 = arith.constant 0 : i32
    %dma_wait3A_33 = tpu.memref_slice %arg4[%dma_wait3A_31, %dma_wait3A_32] : memref<21504x2048xf32, #tpu.memory_space<hbm>> -> memref<8x2048xf32, #tpu.memory_space<hbm>>
    tpu.wait_dma2 semaphore(%arg15 : memref<!tpu.dma_semaphore, #tpu.memory_space<semaphore_mem>>) src(%arg9 : memref<8x2048xf32, #tpu.memory_space<vmem>>) dst(%dma_wait3A_33 : memref<8x2048xf32, #tpu.memory_space<hbm>>)
    %dma_wait3A_34 = arith.constant 0 : i32
    %dma_wait3A_35 = arith.constant 0 : i32
    %dma_wait3A_36 = tpu.memref_slice %arg4[%dma_wait3A_34, %dma_wait3A_35] : memref<21504x2048xf32, #tpu.memory_space<hbm>> -> memref<8x2048xf32, #tpu.memory_space<hbm>>
    %dma_wait3A_37 = arith.constant 0 : i32
    %dma_wait3A_38 = arith.constant 0 : i32
    %dma_wait3A_39 = tpu.memref_slice %arg4[%dma_wait3A_37, %dma_wait3A_38] : memref<21504x2048xf32, #tpu.memory_space<hbm>> -> memref<8x2048xf32, #tpu.memory_space<hbm>>
    tpu.wait_dma2 semaphore(%arg16 : memref<!tpu.dma_semaphore, #tpu.memory_space<semaphore_mem>>) src(%arg10 : memref<8x2048xf32, #tpu.memory_space<vmem>>) dst(%dma_wait3A_39 : memref<8x2048xf32, #tpu.memory_space<hbm>>)
    %dma_wait3A_40 = arith.constant 0 : i32
    %dma_wait3A_41 = arith.constant 0 : i32
    %dma_wait3A_42 = tpu.memref_slice %arg4[%dma_wait3A_40, %dma_wait3A_41] : memref<21504x2048xf32, #tpu.memory_space<hbm>> -> memref<8x2048xf32, #tpu.memory_space<hbm>>
    %dma_wait3A_43 = arith.constant 0 : i32
    %dma_wait3A_44 = arith.constant 0 : i32
    %dma_wait3A_45 = tpu.memref_slice %arg4[%dma_wait3A_43, %dma_wait3A_44] : memref<21504x2048xf32, #tpu.memory_space<hbm>> -> memref<8x2048xf32, #tpu.memory_space<hbm>>
    tpu.wait_dma2 semaphore(%arg17 : memref<!tpu.dma_semaphore, #tpu.memory_space<semaphore_mem>>) src(%arg11 : memref<8x2048xf32, #tpu.memory_space<vmem>>) dst(%dma_wait3A_45 : memref<8x2048xf32, #tpu.memory_space<hbm>>)
    return
  }
}

</mosaic_0001>

<sc_bundles>
// kernel: kernel.3.cloned.1.call-start
scs
__scs_entry_jumppad:
0x0: {  	(pc) =	sbr.rel $0x88, $3  }
0x1: {  	(tag) =	ssettag $0x0;
	lr =	simm.s32 $0x1  }
0x2: {  	[smem:$0x3FA0] =	sst lr;
	_ =	strace $0xD0000000  }
0x3: {  	_ = 	snop  }
0x4: {  	_ = 	snop  }
0x5: {  	_ = 	snop  }
0x6: {  	_ = 	snop  }
0x7: {  	_ = 	snop  }
__scs_overlays_trampoline_lowered:
0x8: {  	[smem:$0x3FAF] =	sst s0  }
0x9: {  	[smem:$0x3FB0] =	sst s1  }
0xa: {  	[smem:$0x3FB1] =	sst s2  }
0xb: {  	[smem:$0x3FB2] =	sst s3  }
0xc: {  	[smem:$0x3FB3] =	sst s4  }
0xd: {  	[smem:$0x3FB4] =	sst s5  }
0xe: {  	[smem:$0x3FB5] =	sst s6  }
0xf: {  	[smem:$0x3FB6] =	sst s7  }
0x10: {  	[smem:$0x3FB7] =	sst s8  }
0x11: {  	[smem:$0x3FB8] =	sst s9;
	s0 =	simm.s32 @!p0 $0x0  }
0x12: {  	s1 =	sld [smem:$0x3F9E];
	s0 =	simm.s32 @p0 $0x1  }
0x13: {  	[smem:$0x3FB9] =	sst s0;
	s0 =	simm.s32 @!p1 $0x0  }
0x14: {  	s2 =	sld [smem:$0x3F9D];
	s0 =	simm.s32 @p1 $0x1  }
0x15: {  	[smem:$0x3FBA] =	sst s0;
	s0 =	simm.s32 @!p2 $0x0  }
0x16: {  	s3 =	sld [smem:$0x3FDB];
	s0 =	simm.s32 @p2 $0x1  }
0x17: {  	s4 =	simm.s32 $0x1BF5;
	[smem:$0x3FBC] =	sst s0  }
0x18: {  	s0 =	sld [smem:$0x3F9F];
	_ =	swait.ge [sflag:s4], $0x0  }
0x19: {  	s7 =	sld [smem:$0x3FA0]  }
0x1a: {  	s8 =	sadd.s32 $0xFFFFE003, lr  }
0x1b: {  	s9 =	sadd.s32 $0xFFFFFEF7, lr;
	s5 =	simm.s32 $0xFFFFFFFF;
	p2 =	slt.u32 s8, $0xFFFFF086  }
0x1c: {  	p1 =	slt.u32 s9, $0xF7A;
	s5 =	simm.s32 @!p2 $0x0  }
0x1d: {  	s5 =	simm.s32 @p1 $0x1;
	p0 =	seq.s32 s7, s2  }
0x1e: {  	s7 =	smul.u32 @!p0 $0xF7A, s2;
	p2 =	seq.s32 @!p0 s5, $0x0  }
0x1f: {  	s9 =	smul.u32 $0xF7A, s1;
	s8 =	simm.s32 @!p0 $0x1BF5;
	p2 =	por !p2, p0  }
0x20: {  	[sflag:s8] =	ssyncset.s32 @!p0 $0xFFFFF086;
	s6 =	sadd.s32 @!p0 s3, s7;
	s7 =	simm.s32 @!p0 $0x108  }
0x21: {  	s3 =	sadd.s32 s3, s9;
	s6 =	sadd.s32 @!p0 $0x88, s6;
	s7 =	simm.s32 @p2 $0x1082  }
0x22: {  	[simem:s7], [sflag:s8] =	dma.local @!p0 [hbm:s6], $0xF7A  }
0x23: {  	s9 =	sor.u32 $0xD0000000, s2;
	s6 =	simm.s32 $0x108;
	_ =	swait.ge @!p0 [sflag:s8], $0x0  }
0x24: {  	s3 =	sadd.s32 $0x88, s3;
	s6 =	simm.s32 @!p1 $0x1082;
	[sflag:s4] =	ssyncset.s32 $0xFFFFF086  }
0x25: {  	[simem:s6], [sflag:s4] =	dma.local [hbm:s3], $0xF7A  }
0x26: {  	[smem:$0x3FA0] =	sst s1;
	(tag) =	ssettag s2;
	_ =	strace s9  }
0x27: {  	s1 =	sld [smem:$0x3FB0]  }
0x28: {  	s2 =	sld [smem:$0x3FB1]  }
0x29: {  	s4 =	sld [smem:$0x3FB3]  }
0x2a: {  	p0 =	seq.s32 s5, $0x0;
	s5 =	sld [smem:$0x3FB4]  }
0x2b: {  	s6 =	sld [smem:$0x3FB5]  }
0x2c: {  	s7 =	sld [smem:$0x3FB6]  }
0x2d: {  	s3 =	simm.s32 $0x108;
	s8 =	sld [smem:$0x3FB7]  }
0x2e: {  	s3 =	simm.s32 @!p0 $0x1082;
	s9 =	sld [smem:$0x3FB8]  }
0x2f: {  	lr =	sadd.s32 s0, s3;
	s0 =	sld [smem:$0x3FAF]  }
0x30: {  	s3 =	sld [smem:$0x3FB2]  }
0x31: {  	[smem:$0x3FBB] =	sst s10  }
0x32: {  	s10 =	sld [smem:$0x3FB9];
	_ =	sdelay $0x3  }
0x33: {  	p0 =	seq.s32 s10, $0x1;
	s10 =	sld [smem:$0x3FBB];
	_ =	sdelay $0x3  }
0x34: {  	[smem:$0x3FBB] =	sst s10  }
0x35: {  	s10 =	sld [smem:$0x3FBA];
	_ =	sdelay $0x3  }
0x36: {  	p1 =	seq.s32 s10, $0x1;
	s10 =	sld [smem:$0x3FBB];
	_ =	sdelay $0x3  }
0x37: {  	[smem:$0x3FBB] =	sst s10  }
0x38: {  	s10 =	sld [smem:$0x3FBC]  }
0x39: {  	_ = 	snop;
	(pc) =	sbr.ind lr, $3  }
0x3a: {  	_ = 	snop  }
0x3b: {  	_ = 	snop  }
0x3c: {  	p2 =	seq.s32 s10, $0x1;
	s10 =	sld [smem:$0x3FBB]  }
0x3d: {  	_ =	shalt  }
0x3e: {  	_ =	shalt  }
0x3f: {  	_ =	shalt  }
0x40: {  	_ =	shalt  }
0x41: {  	_ =	shalt  }
0x42: {  	_ =	shalt  }
0x43: {  	_ =	shalt  }
0x44: {  	_ =	shalt  }
0x45: {  	_ =	shalt  }
0x46: {  	_ =	shalt  }
0x47: {  	_ =	shalt  }
0x48: {  	_ =	shalt  }
0x49: {  	_ =	shalt  }
0x4a: {  	_ =	shalt  }
0x4b: {  	_ =	shalt  }
0x4c: {  	_ =	shalt  }
0x4d: {  	_ =	shalt  }
0x4e: {  	_ =	shalt  }
0x4f: {  	_ =	shalt  }
0x50: {  	_ =	shalt  }
0x51: {  	_ =	shalt  }
0x52: {  	_ =	shalt  }
0x53: {  	_ =	shalt  }
0x54: {  	_ =	shalt  }
0x55: {  	_ =	shalt  }
0x56: {  	_ =	shalt  }
0x57: {  	_ =	shalt  }
0x58: {  	_ =	shalt  }
0x59: {  	_ =	shalt  }
0x5a: {  	_ =	shalt  }
0x5b: {  	_ =	shalt  }
0x5c: {  	_ =	shalt  }
0x5d: {  	_ =	shalt  }
0x5e: {  	_ =	shalt  }
0x5f: {  	_ =	shalt  }
0x60: {  	_ =	shalt  }
0x61: {  	_ =	shalt  }
0x62: {  	_ =	shalt  }
0x63: {  	_ =	shalt  }
0x64: {  	_ =	shalt  }
0x65: {  	_ =	shalt  }
0x66: {  	_ =	shalt  }
0x67: {  	_ =	shalt  }
0x68: {  	_ =	shalt  }
0x69: {  	_ =	shalt  }
0x6a: {  	_ =	shalt  }
0x6b: {  	_ =	shalt  }
0x6c: {  	_ =	shalt  }
0x6d: {  	_ =	shalt  }
0x6e: {  	_ =	shalt  }
0x6f: {  	_ =	shalt  }
0x70: {  	_ =	shalt  }
0x71: {  	_ =	shalt  }
0x72: {  	_ =	shalt  }
0x73: {  	_ =	shalt  }
0x74: {  	_ =	shalt  }
0x75: {  	_ =	shalt  }
0x76: {  	_ =	shalt  }
0x77: {  	_ =	shalt  }
0x78: {  	_ =	shalt  }
0x79: {  	_ =	shalt  }
0x7a: {  	_ =	shalt  }
0x7b: {  	_ =	shalt  }
0x7c: {  	_ =	shalt  }
0x7d: {  	_ =	shalt  }
0x7e: {  	_ =	shalt  }
0x7f: {  	_ =	shalt  }
0x80: {  	_ =	shalt  }
0x81: {  	_ =	shalt  }
0x82: {  	_ =	shalt  }
0x83: {  	_ =	shalt  }
0x84: {  	_ =	shalt  }
0x85: {  	_ =	shalt  }
0x86: {  	_ =	shalt  }
0x87: {  	_ =	shalt  }
.Lfunc_end0:
.L_simem_size_0:
called_computation_lowered:
.L_overlay_start_0:
0x88: {  	s2 =	sld [smem:$0x3FD9]  }
0x89: {  	s3 =	sld [smem:$0x3FFE];
	_ =	sdelay $0x1  }
0x8a: {  	s1 =	srdreg.scid  }
0x8b: {  	s0 =	sand.u32 $0x1, s1  }
0x8c: {  	s17 =	sshll.u32 s0, $0xA;
	s2 =	sadd.s32 s3, s2  }
0x8d: {  	s2 =	sadd.s32 s2, s17  }
0x8e: {  	[smem:$0x3FC7] =	sst s2  }
0x8f: {  	_ = 	snop  }
0x90: {  	s2 =	sld [smem:$0x3FC9]  }
0x91: {  	s18 =	sld [smem:$0x3FD0];
	(tm) =	ssettm $0x1  }
0x92: {  	s4 =	sld [smem:$0x3FFB];
	_ =	sdelay $0x3  }
0x93: {  	_ =	strace s4  }
0x94: {  	s4 =	sld [smem:$0x3FFC];
	_ =	sdelay $0x3  }
0x95: {  	_ =	strace s4  }
0x96: {  	s4 =	sld [smem:$0x3FFD];
	_ =	sdelay $0x3  }
0x97: {  	_ =	strace s4  }
0x98: {  	_ =	strace $0x8FFFFFFF  }
0x99: {  	s19 =	sld [smem:$0x3FDB];
	_ =	sdelay $0x1  }
0x9a: {  	s5 =	simm.s32 $_scs_section_size  }
0x9b: {  	s6 =	simm.s32 $_size__tile_overlayer_lowered;
	s7 =	simm.s32 $_tile_overlayer_lowered  }
0x9c: {  	s22 =	simm.s32 $0x1BFF;
	s21 =	sshll.u32 s7, $0x1;
	s4 =	sadd.s32 s5, s19  }
0x9d: {  	s8 =	simm.s32 $0x0;
	s20 =	sshll.u32 s6, $0x1;
	s6 =	sadd.s32 s21, s4  }
0x9e: {  	[timem:s8], [sflag:s22] =	dma.local [hbm:s6], s20  }
0x9f: {  	_ =	swait.ge [sflag:s22], s20  }
0xa0: {  	s5 =	ssub.s32 $0x0, s20;
	[sflag:s22] =	ssyncset.done $0x0  }
0xa1: {  	[sflag:s22] =	ssyncadd.s32 s5;
	_ =	sdelay $0x1  }
0xa2: {  	s23 =	simm.s32 $0x1B8B  }
0xa3: {  	_ =	swait.ge [sflag:s23], $0x1  }
0xa4: {  	[sflag:s23] =	ssyncset.done $0x0  }
0xa5: {  	s25 =	simm.s32 $0x1B8E;
	s24 =	sld [smem:$0x3FFE];
	[sflag:s23] =	ssyncadd.s32 $0xFFFFFFFF  }
0xa6: {  	s26 =	simm.s32 $execute0_lowered;
	[smem:$0x3FD2] =	sst s25  }
0xa7: {  	s6 =	sshll.u32 s26, $0x1;
	_ =	strace $0x80000046;
	[dreg:$0x1] =	wrdreg $0xFFFFFFFF  }
0xa8: {  	s28 =	simm.s32 $_size_execute0_lowered;
	s4 =	sadd.s32 s4, s6;
	[dreg:$0x0] =	wrdreg $0x0  }
0xa9: {  	s6 =	sshll.u32 s28, $0x1;
	[dreg:$0x2] =	wrdreg s4  }
0xaa: {  	[dreg:$0x3] =	wrdreg s6  }
0xab: {  	[dreg:$0x4] =	wrdreg $0xC0  }
0xac: {  	_ =	task [dreg:s8], $0x5FFFF  }
0xad: {  	[dreg:$0x1] =	wrdreg $0xFFFFFFFF  }
0xae: {  	[dreg:$0x0] =	wrdreg $0x60  }
0xaf: {  	[dreg:$0x2] =	wrdreg s2  }
0xb0: {  	[dreg:$0x3] =	wrdreg s24  }
0xb1: {  	[dreg:$0x4] =	wrdreg s18  }
0xb2: {  	[dreg:$0x5] =	wrdreg $0x9  }
0xb3: {  	_ =	task.clear_ibuf [dreg:s8], $0x6FFFF;
	_ =	strace $0x90000046  }
0xb4: {  	s29 =	simm.s32 $0x9;
	_ =	strace $0x80000048  }
0xb5: {  	_ =	swait.ge [sflag:s29], $0x1  }
0xb6: {  	[sflag:s29] =	ssyncadd.s32 $0xFFFFFFFF  }
0xb7: {  	_ =	strace $0x90000048  }
0xb8: {  	_ =	sfence  }
0xb9: {  	s30 =	sld [smem:$0x0];
	_ =	sdelay $0x2  }
0xba: {  	s31 =	sshll.u32 s1, $0xD;
	s1 =	sshrl.u32 s1, $0x2  }
0xbb: {  	s3 =	sand.u32 $0x4000, s31;
	s1 =	sadd.s32 s1, s30  }
0xbc: {  	s0 =	sor.u32 s3, s0;
	s1 =	sshll.u32 s1, $0x11  }
0xbd: {  	s0 =	sor.u32 s1, s0  }
0xbe: {  	s0 =	sadd.s32 $0x8F2B, s0  }
0xbf: {  	[sflag:s0] =	ssyncadd.remote.s32 $0x1  }
0xc0: {  	_ =	sfence.sel $0xFFFF  }
0xc1: {  	[dreg:$0x0] =	wrdreg $0xFFFFFFFF;
	(pc) =	sbr.abs _section_cstart, $3  }
0xc2: {  	[dreg:$0x1] =	wrdreg $0xFFFFFFFF  }
0xc3: {  	_ =	task.clear_ibuf [dreg:s8], $0x2FFFF;
	_ =	strace $0x9FFFFFFF  }
0xc4: {  	(tm) =	ssettm $0x7FFFFFFF  }
0xc5: {  	_ =	shalt  }
tec
execute0_lowered:
.L_overlay_start_1:
0x0: {  	(tag) =	ssettag $0x1  }
0x1: {  	s0 =	rddreg [dreg:$0x0]  }
0x2: {  	s1 =	rddreg [dreg:$0x1]  }
0x3: {  	s3 =	srdreg.scid;
	s2 =	stileid.u32;
	s23 =	simm.s32 $0x0  }
0x4: {  	s4 =	sand.u32 $0x1, s3;
	s5 =	sshll.u32 s2, $0x1;
	[smem:$0x7FF] =	sst s23  }
0x5: {  	s1 =	sadd.s32 $0x400, s1;
	s29 =	sadd.s32 $0x1800, s0;
	s5 =	sor.u32 s4, s5  }
0x6: {  	_ =	strace $0x80000047;
	[dreg:$0x1c] =	wrdreg s1;
	s6 =	smul.u32 $0x2A000, s5  }
0x7: {  	s30 =	sadd.s32 $0x2000, s0;
	[smem:$0x7FA] =	sst s29;
	s26 =	smul.u32 $0x54, s5  }
0x8: {  	s4 =	ssub.s32 $0x2, s4;
	[smem:$0x7FB] =	sst s30  }
0x9: {  	s7 =	sshrl.u32 s4, $0x1;
	s25 =	sadd.s32 s0, s6;
	[dreg:$0x1e] =	wrdreg s26  }
0xa: {  	s24 =	ssub.s32 s4, s7;
	s0 =	sadd.s32 $0x2800, s0;
	[dreg:$0x1d] =	wrdreg s25  }
0xb: {  	s31 =	smax.u32 s24, $0x1;
	[smem:$0x7FC] =	sst s0  }
0xc: {  	s28 =	sadd.s32 $0x800, s25;
	[smem:$0x7FD] =	sst s31  }
0xd: {  	s2 =	sadd.s32 $0x1000, s25;
	[dreg:$0x1f] =	wrdreg s28  }
0xe: {  	[smem:$0x7F9] =	sst s2;
	s2 =	simm.s32 $0x0  }
.LBB2_1:
0xf: {  	[smem:$0x7F8] =	sst s2  }
0x10: {  	s0 =	simm.s32 $0x0;
	s1 =	rddreg [dreg:$0x1c];
	s23 =	simm.s32 $0x7  }
0x11: {  	[tilespmem:s0], [sflag:$0x7] =	stream.linear.gather [hbm4b:s1+s0], $0x300, $0x38;
	[tilespmem:$0x18300] =	vst v63  }
0x12: {  	_ =	swait.ge [sflag:s23], $0x300  }
0x13: {  	[sflag:s23] =	ssyncset.done $0x0;
	s24 =	rddreg [dreg:$0x1d]  }
0x14: {  	s25 =	simm.s32 $0x300;
	s26 =	rddreg [dreg:$0x1f];
	[sflag:s23] =	ssyncadd.s32 $0xFFFFFD00  }
0x15: {  	[tilespmem:s25], [sflag:$0x1] =	stream.linear.gather [hbm4b:s24+s0], $0x4000, $0x38;
	[tilespmem:$0x18300] =	vst v63  }
0x16: {  	s28 =	simm.s32 $0x4300;
	s29 =	sld [smem:$0x7F9]  }
0x17: {  	[tilespmem:s28], [sflag:$0x2] =	stream.linear.gather [hbm4b:s26+s0], $0x4000, $0x38;
	[tilespmem:$0x18300] =	vst v63  }
0x18: {  	s31 =	simm.s32 $0x8300;
	s30 =	simm.s32 $0x0  }
0x19: {  	[tilespmem:s31], [sflag:$0x3] =	stream.linear.gather [hbm4b:s29+s0], $0x4000, $0x38;
	[tilespmem:$0x18300] =	vst v63  }
.LBB2_2:
0x1a: {  	s0 =	smul.u32 $0x3, s30  }
0x1b: {  	s1 =	rddreg [dreg:$0x1e]  }
0x1c: {  	s29 =	sadd.s32 s1, s0  }
0x1d: {  	s0 =	sshrl.u32 s29, $0x1  }
0x1e: {  	s0 =	smulhi.u32 $0x30C30C31, s0;
	_ =	sdelay $0x1  }
0x1f: {  	s0 =	sshrl.u32 s0, $0x2  }
0x20: {  	s0 =	smul.u32 $0x2A, s0;
	_ =	sdelay $0x1  }
0x21: {  	s0 =	ssub.s32 s29, s0  }
0x22: {  	s0 =	sshll.u32 s0, $0x4  }
0x23: {  	v0 =	vld [tilespmem:s0+$0x0];
	_ =	sdelay $0x4  }
0x24: {  	(v2sf) =	vpush v0, $0x0  }
0x25: {  	(v2sf) =	vpush v0, $0x1  }
0x26: {  	(v2sf) =	vpush v0, $0x2;
	_ =	sdelay $0x1  }
0x27: {  	(v2sf) =	vpush v0, $0x3;
	_ =	sdelay $0x1  }
0x28: {  	(v2sf) =	vpush v0, $0x4;
	_ =	sdelay $0x1  }
0x29: {  	(v2sf) =	vpush v0, $0x5  }
0x2a: {  	(v2sf) =	vpush v0, $0x6  }
0x2b: {  	(v2sf) =	vpush v0, $0x7;
	_ =	sdelay $0x4  }
0x2c: {  	s2 =	simm.s32 $0x1;
	s11 =	spop (v2sf)  }
0x2d: {  	p0 =	seq.s32 s30, $0x0;
	s12 =	spop (v2sf);
	s10 =	sshll.u32 s11, $0xB  }
0x2e: {  	s0 =	sshll.u32 s11, $0x7;
	s11 =	simm.s32 @!p0 $0x4;
	s4 =	spop (v2sf)  }
0x2f: {  	s10 =	sand.u32 $0xFFFFC000, s10;
	s0 =	sand.u32 $0x380, s0;
	s13 =	sshll.u32 s12, $0xB  }
0x30: {  	s1 =	sshll.u32 s12, $0x7;
	s5 =	spop (v2sf);
	s0 =	sor.u32 s0, s10  }
0x31: {  	s14 =	sand.u32 $0xFFFFC000, s13;
	s1 =	sand.u32 $0x380, s1;
	s15 =	sshll.u32 s4, $0xB  }
0x32: {  	s4 =	sshll.u32 s4, $0x7;
	s6 =	spop (v2sf);
	s0 =	sadd.s32 $0x300, s0  }
0x33: {  	s4 =	sand.u32 $0x380, s4;
	s17 =	sshll.u32 s5, $0xB;
	s18 =	sshll.u32 s5, $0x7  }
0x34: {  	s7 =	spop (v2sf);
	s19 =	sand.u32 $0xFFFFC000, s17;
	s20 =	sand.u32 $0x380, s18  }
0x35: {  	s21 =	sshll.u32 s6, $0xB;
	s22 =	sshll.u32 s6, $0x7;
	s8 =	spop (v2sf)  }
0x36: {  	s24 =	sshll.u32 s7, $0xB;
	s25 =	sshll.u32 s7, $0x7;
	s9 =	spop (v2sf)  }
0x37: {  	s26 =	sshll.u32 s8, $0xB;
	s31 =	sshll.u32 s8, $0x7;
	_ =	swait.ge [sflag:s2], $0x4000  }
0x38: {  	s3 =	sand.u32 $0x380, s31;
	s10 =	sshll.u32 s9, $0xB;
	[sflag:s2] =	ssyncset.done $0x0  }
0x39: {  	s12 =	sshll.u32 s9, $0x7;
	[sflag:s2] =	ssyncadd.s32 $0xFFFFC000;
	s2 =	sand.u32 $0xFFFFC000, s26  }
0x3a: {  	_ =	swait.ge @!p0 [sflag:s11], $0x4000;
	[dreg:$0x4] =	wrdreg s0;
	s0 =	sor.u32 s1, s14  }
0x3b: {  	s1 =	sand.u32 $0xFFFFC000, s15;
	s7 =	sor.u32 s3, s2;
	s0 =	sadd.s32 $0x300, s0  }
0x3c: {  	s16 =	sor.u32 s4, s1;
	s1 =	sand.u32 $0xFFFFC000, s21;
	s4 =	sand.u32 $0x380, s22  }
0x3d: {  	s8 =	sadd.s32 $0x300, s7;
	[sflag:s11] =	ssyncset.done @!p0 $0x0;
	s13 =	rddreg [dreg:$0x4]  }
0x3e: {  	s22 =	simm.s32 $0x0;
	[dreg:$0x5] =	wrdreg s0;
	s0 =	sadd.s32 $0x300, s16  }
0x3f: {  	s23 =	sor.u32 s4, s1;
	s1 =	sand.u32 $0xFFFFC000, s24;
	[dreg:$0xa] =	wrdreg s8  }
0x40: {  	s4 =	sand.u32 $0x380, s25;
	[dreg:$0x6] =	wrdreg s0;
	s0 =	sor.u32 s20, s19  }
0x41: {  	s18 =	sand.u32 $0x60, s22;
	s1 =	sor.u32 s4, s1;
	s0 =	sadd.s32 $0x300, s0  }
0x42: {  	s6 =	sadd.s32 $0x300, s1;
	[dreg:$0x7] =	wrdreg s0;
	s0 =	sadd.s32 $0x300, s23  }
0x43: {  	s1 =	sand.u32 $0x380, s12;
	[dreg:$0x8] =	wrdreg s0;
	s0 =	sand.u32 $0xFFFFC000, s10  }
0x44: {  	s20 =	sand.u32 $0x3C00, s22;
	s24 =	sor.u32 $0x10, s18;
	s0 =	sor.u32 s1, s0  }
0x45: {  	s14 =	sadd.s32 s20, s13;
	[dreg:$0x9] =	wrdreg s6;
	s0 =	sadd.s32 $0x300, s0  }
0x46: {  	[sflag:s11] =	ssyncadd.s32 @!p0 $0xFFFFC000;
	s15 =	sadd.s32 s24, s14;
	[dreg:$0xb] =	wrdreg s0  }
0x47: {  	v0 =	vld [tilespmem:s15+$0x0];
	_ =	sdelay $0x1  }
0x48: {  	s1 =	sadd.s32 s18, s14  }
0x49: {  	s16 =	rddreg [dreg:$0x5];
	s17 =	sor.u32 $0xC300, s20;
	v1 =	vld [tilespmem:s1+$0x0]  }
0x4a: {  	s25 =	sor.u32 s24, s17;
	s0 =	sadd.s32 s20, s16  }
0x4b: {  	s19 =	sadd.s32 s24, s0;
	[tilespmem:s25+$0x0] =	vst v0  }
0x4c: {  	v0 =	vld [tilespmem:s19+$0x0]  }
0x4d: {  	s23 =	sor.u32 s18, s17  }
0x4e: {  	s0 =	sadd.s32 s18, s0;
	[tilespmem:s23+$0x0] =	vst v1  }
0x4f: {  	v1 =	vld [tilespmem:s0+$0x0];
	s21 =	rddreg [dreg:$0x6]  }
0x50: {  	s0 =	sadd.s32 s20, s21  }
0x51: {  	s26 =	sadd.s32 s24, s0;
	[tilespmem:s25+$0x80] =	vst v0  }
0x52: {  	v0 =	vld [tilespmem:s26+$0x0]  }
0x53: {  	s2 =	rddreg [dreg:$0x4];
	s8 =	simm.s32 $0x20;
	s12 =	simm.s32 $0x100  }
0x54: {  	s1 =	sand.u32 $0x60, s8;
	s15 =	sand.u32 $0x3C00, s12;
	s0 =	sadd.s32 s18, s0;
	[tilespmem:s23+$0x80] =	vst v1  }
0x55: {  	s5 =	sadd.s32 s15, s2;
	s31 =	rddreg [dreg:$0x7];
	v1 =	vld [tilespmem:s0+$0x0];
	s0 =	sor.u32 $0x10, s1  }
0x56: {  	s4 =	sadd.s32 s20, s31;
	s10 =	sadd.s32 s0, s5  }
0x57: {  	s3 =	rddreg [dreg:$0x8];
	s9 =	sadd.s32 s24, s4;
	v2 =	vld [tilespmem:s10+$0x0];
	[tilespmem:s25+$0x100] =	vst v0  }
0x58: {  	s5 =	sadd.s32 s1, s5;
	v0 =	vld [tilespmem:s9+$0x0]  }
0x59: {  	v3 =	vld [tilespmem:s5+$0x0]  }
0x5a: {  	s11 =	rddreg [dreg:$0x5];
	s13 =	sor.u32 $0xC300, s15  }
0x5b: {  	s17 =	sadd.s32 s15, s11;
	s14 =	sor.u32 s0, s13;
	s4 =	sadd.s32 s18, s4;
	[tilespmem:s23+$0x100] =	vst v1  }
0x5c: {  	s6 =	sadd.s32 s20, s3;
	s19 =	sadd.s32 s0, s17;
	v1 =	vld [tilespmem:s4+$0x0];
	[tilespmem:s14+$0x0] =	vst v2  }
0x5d: {  	s16 =	sadd.s32 s24, s6;
	s5 =	sor.u32 s1, s13;
	v2 =	vld [tilespmem:s19+$0x0];
	[tilespmem:s25+$0x180] =	vst v0  }
0x5e: {  	s21 =	sadd.s32 s1, s17;
	[tilespmem:s5+$0x0] =	vst v3;
	v0 =	vld [tilespmem:s16+$0x0]  }
0x5f: {  	v3 =	vld [tilespmem:s21+$0x0]  }
0x60: {  	s26 =	rddreg [dreg:$0x6]  }
0x61: {  	s4 =	sadd.s32 s15, s26;
	s31 =	rddreg [dreg:$0x9];
	[tilespmem:s23+$0x180] =	vst v1  }
0x62: {  	s3 =	sadd.s32 s0, s4;
	[tilespmem:s14+$0x80] =	vst v2  }
0x63: {  	s6 =	sadd.s32 s18, s6;
	[tilespmem:s25+$0x200] =	vst v0;
	v0 =	vld [tilespmem:s3+$0x0]  }
0x64: {  	s13 =	simm.s32 $0x40;
	s26 =	rddreg [dreg:$0x4];
	[tilespmem:s5+$0x80] =	vst v3;
	v1 =	vld [tilespmem:s6+$0x0]  }
0x65: {  	s4 =	sadd.s32 s1, s4;
	s11 =	sadd.s32 s20, s31;
	s8 =	rddreg [dreg:$0x7]  }
0x66: {  	s17 =	rddreg [dreg:$0x8];
	s7 =	sadd.s32 s24, s11;
	v3 =	vld [tilespmem:s4+$0x0];
	s4 =	sand.u32 $0x60, s13  }
0x67: {  	s31 =	sadd.s32 s18, s11;
	s6 =	sadd.s32 s15, s8;
	v2 =	vld [tilespmem:s7+$0x0];
	s7 =	simm.s32 $0x200  }
0x68: {  	s28 =	sadd.s32 s0, s6;
	s2 =	rddreg [dreg:$0xa];
	s16 =	sand.u32 $0x3C00, s7;
	[tilespmem:s14+$0x100] =	vst v0  }
0x69: {  	s8 =	sor.u32 $0x10, s4;
	s10 =	rddreg [dreg:$0xb];
	[tilespmem:s23+$0x200] =	vst v1;
	s26 =	sadd.s32 s16, s26;
	v0 =	vld [tilespmem:s28+$0x0]  }
0x6a: {  	v1 =	vld [tilespmem:s31+$0x0];
	s28 =	sadd.s32 s8, s26  }
0x6b: {  	s22 =	sand.u32 $0x3, s22;
	s9 =	sadd.s32 s20, s2;
	s26 =	sadd.s32 s4, s26;
	v4 =	vld [tilespmem:s28+$0x0]  }
0x6c: {  	s22 =	sshll.u32 s22, $0x5;
	s19 =	sadd.s32 s24, s9;
	[tilespmem:s25+$0x280] =	vst v2;
	v2 =	vld [tilespmem:s26+$0x0]  }
0x6d: {  	s22 =	sadd.s32 $0x0, s22;
	s11 =	sadd.s32 s15, s17;
	s6 =	sadd.s32 s1, s6;
	[tilespmem:s5+$0x100] =	vst v3;
	v3 =	vld [tilespmem:s19+$0x0]  }
0x6e: {  	s21 =	rddreg [dreg:$0x5];
	s2 =	sadd.s32 s0, s11;
	s28 =	sor.u32 $0xC300, s16;
	[tilespmem:s14+$0x180] =	vst v0;
	v0 =	vld [tilespmem:s6+$0x0]  }
0x6f: {  	s9 =	sadd.s32 s18, s9;
	s3 =	sadd.s32 s16, s21;
	[tilespmem:s23+$0x280] =	vst v1;
	s25 =	sor.u32 s8, s28;
	v1 =	vld [tilespmem:s2+$0x0]  }
0x70: {  	s31 =	sadd.s32 $0x10, s22;
	s17 =	sadd.s32 s8, s3;
	s23 =	sor.u32 s4, s28;
	[tilespmem:s25+$0x0] =	vst v4;
	v4 =	vld [tilespmem:s9+$0x0]  }
0x71: {  	s10 =	sadd.s32 s20, s10;
	s19 =	sor.u32 $0x300, s31;
	s6 =	sadd.s32 s4, s3;
	[tilespmem:s23+$0x0] =	vst v2;
	v2 =	vld [tilespmem:s17+$0x0]  }
0x72: {  	s26 =	sadd.s32 s24, s10;
	[tilespmem:s19+$0xC300] =	vst v3;
	v3 =	vld [tilespmem:s6+$0x0]  }
0x73: {  	s18 =	sadd.s32 s18, s10;
	s21 =	rddreg [dreg:$0x9];
	s2 =	sadd.s32 s1, s11;
	v5 =	vld [tilespmem:s26+$0x0];
	[tilespmem:s5+$0x180] =	vst v0  }
0x74: {  	s28 =	sor.u32 $0x380, s22;
	s17 =	sor.u32 $0x300, s22;
	s9 =	sadd.s32 s15, s21;
	[tilespmem:s14+$0x200] =	vst v1;
	v6 =	vld [tilespmem:s2+$0x0]  }
0x75: {  	s3 =	rddreg [dreg:$0x6];
	s26 =	simm.s32 $0x4;
	s19 =	sadd.s32 s0, s9;
	[tilespmem:s17+$0xC300] =	vst v4  }
0x76: {  	s21 =	sor.u32 $0x380, s31;
	s22 =	sadd.s32 s16, s3;
	v1 =	vld [tilespmem:s19+$0x0];
	s24 =	rddreg [dreg:$0xa];
	[tilespmem:s25+$0x80] =	vst v2  }
0x77: {  	s9 =	sadd.s32 s1, s9;
	s31 =	sadd.s32 s8, s22;
	v0 =	vld [tilespmem:s18+$0x0];
	s20 =	rddreg [dreg:$0xb];
	[tilespmem:s23+$0x80] =	vst v3  }
0x78: {  	s10 =	sadd.s32 s4, s22;
	[tilespmem:s21+$0xC300] =	vst v5;
	s18 =	simm.s32 $0x300;
	s6 =	rddreg [dreg:$0x8];
	v3 =	vld [tilespmem:s31+$0x0]  }
0x79: {  	v2 =	vld [tilespmem:s10+$0x0];
	s10 =	rddreg [dreg:$0x7];
	s22 =	sadd.s32 s15, s24;
	s24 =	simm.s32 $0x1;
	[tilespmem:s5+$0x200] =	vst v6  }
.LBB2_3:
0x7a: {  	_ = 	snop  }
0x7b: {  	s11 =	rddreg [dreg:$0x4];
	s13 =	sadd.s32 $0x20, s13;
	s31 =	sadd.s32 s0, s22  }
0x7c: {  	v4 =	vld [tilespmem:s9+$0x0];
	s9 =	sand.u32 $0x3C00, s18;
	s21 =	sand.u32 $0x3, s24;
	s26 =	sadd.s32 $0x2, s26;
	[tilespmem:s14+$0x280] =	vst v1  }
0x7d: {  	s10 =	sadd.s32 s16, s10;
	s19 =	sadd.s32 s15, s20;
	s14 =	smov.u32 s25;
	[tilespmem:s28+$0xC300] =	vst v0;
	v1 =	vld [tilespmem:s31+$0x0]  }
0x7e: {  	s2 =	sand.u32 $0x60, s13;
	s25 =	sshll.u32 s21, $0x5;
	s28 =	sadd.s32 s8, s10;
	[tilespmem:s14+$0x100] =	vst v3  }
0x7f: {  	s11 =	sadd.s32 s9, s11;
	s12 =	sadd.s32 s25, s12;
	s31 =	sor.u32 $0x10, s2;
	v0 =	vld [tilespmem:s28+$0x0]  }
0x80: {  	s15 =	sadd.s32 s1, s22;
	[tilespmem:s23+$0x100] =	vst v2;
	s17 =	sadd.s32 $0x10, s12;
	s3 =	sadd.s32 s31, s11  }
0x81: {  	s24 =	sadd.s32 $0x1, s24;
	[tilespmem:s5+$0x280] =	vst v4;
	s11 =	sadd.s32 s2, s11;
	s21 =	sor.u32 $0x300, s17;
	v2 =	vld [tilespmem:s3+$0x0]  }
0x82: {  	p1 =	slt.u32 s26, $0x7E;
	s22 =	sadd.s32 s1, s19;
	s25 =	sadd.s32 s0, s19;
	v3 =	vld [tilespmem:s11+$0x0];
	[tilespmem:s21+$0xC300] =	vst v1  }
0x83: {  	s10 =	sadd.s32 s4, s10;
	s19 =	sor.u32 $0xC300, s9;
	s11 =	sadd.s32 s16, s6;
	v1 =	vld [tilespmem:s25+$0x0]  }
0x84: {  	s20 =	sor.u32 $0x300, s12;
	s3 =	rddreg [dreg:$0x5];
	v4 =	vld [tilespmem:s10+$0x0];
	s1 =	sadd.s32 s8, s11;
	[tilespmem:s14+$0x180] =	vst v0  }
0x85: {  	s28 =	sor.u32 $0x380, s12;
	s10 =	rddreg [dreg:$0x7];
	s25 =	sor.u32 s31, s19;
	v0 =	vld [tilespmem:s1+$0x0]  }
0x86: {  	s6 =	sadd.s32 s4, s11;
	s0 =	sadd.s32 s9, s3;
	s21 =	sor.u32 s2, s19;
	[tilespmem:s25+$0x0] =	vst v2;
	v2 =	vld [tilespmem:s15+$0x0]  }
0x87: {  	s3 =	rddreg [dreg:$0x9];
	s11 =	sor.u32 $0x380, s17;
	s12 =	sadd.s32 s2, s0;
	[tilespmem:s21+$0x0] =	vst v3  }
0x88: {  	s17 =	rddreg [dreg:$0x6];
	s0 =	sadd.s32 s31, s0;
	s1 =	smov.u32 s4;
	v5 =	vld [tilespmem:s12+$0x0];
	[tilespmem:s11+$0xC300] =	vst v1  }
0x89: {  	s4 =	smov.u32 s2;
	s15 =	smov.u32 s16;
	s16 =	smov.u32 s9;
	[tilespmem:s23+$0x180] =	vst v4;
	v3 =	vld [tilespmem:s0+$0x0]  }
0x8a: {  	s5 =	sadd.s32 s15, s3;
	s12 =	smov.u32 s7;
	s2 =	sadd.s32 s16, s17;
	v4 =	vld [tilespmem:s6+$0x0]  }
.Ltmp0:
0x8b: {  	s9 =	sadd.s32 s1, s5;
	s0 =	smov.u32 s8;
	[tilespmem:s20+$0xC300] =	vst v2;
	(pc) =	sbr.rel @p1 .LBB2_3-.Ltmp0, $4  }
0x8c: {  	[tilespmem:s14+$0x200] =	vst v0;
	s19 =	sadd.s32 s0, s5;
	s5 =	smov.u32 s23;
	s23 =	smov.u32 s21;
	v0 =	vld [tilespmem:s22+$0x0]  }
0x8d: {  	s6 =	rddreg [dreg:$0x8];
	s8 =	smov.u32 s31;
	s31 =	sadd.s32 s4, s2;
	v1 =	vld [tilespmem:s19+$0x0];
	[tilespmem:s23+$0x80] =	vst v5  }
0x8e: {  	s7 =	smov.u32 s18;
	s21 =	rddreg [dreg:$0xa];
	s2 =	sadd.s32 s8, s2;
	v2 =	vld [tilespmem:s31+$0x0];
	[tilespmem:s25+$0x80] =	vst v3  }
0x8f: {  	s18 =	sadd.s32 $0x100, s18;
	s20 =	rddreg [dreg:$0xb];
	s22 =	sadd.s32 s15, s21;
	[tilespmem:s5+$0x200] =	vst v4;
	v3 =	vld [tilespmem:s2+$0x0]  }
0x90: {  	_ =	sdelay $0x2  }
0x91: {  	s2 =	sadd.s32 s16, s10  }
0x92: {  	s10 =	sadd.s32 s8, s2;
	[tilespmem:s25+$0x100] =	vst v3  }
0x93: {  	v3 =	vld [tilespmem:s10+$0x0]  }
0x94: {  	s2 =	sadd.s32 s4, s2;
	[tilespmem:s23+$0x100] =	vst v2  }
0x95: {  	v2 =	vld [tilespmem:s2+$0x0];
	_ =	sdelay $0x1  }
0x96: {  	s13 =	sadd.s32 s16, s6  }
0x97: {  	s6 =	sadd.s32 s8, s13;
	[tilespmem:s25+$0x180] =	vst v3  }
0x98: {  	v3 =	vld [tilespmem:s6+$0x0]  }
0x99: {  	s2 =	sadd.s32 s4, s13;
	s17 =	rddreg [dreg:$0x9];
	[tilespmem:s23+$0x180] =	vst v2  }
0x9a: {  	v2 =	vld [tilespmem:s2+$0x0];
	_ =	sdelay $0x2  }
0x9b: {  	s18 =	sadd.s32 s16, s17;
	[tilespmem:s25+$0x200] =	vst v3  }
0x9c: {  	s21 =	sadd.s32 s8, s18;
	v3 =	vld [tilespmem:s9+$0x0];
	s19 =	rddreg [dreg:$0xa]  }
0x9d: {  	s2 =	sadd.s32 s4, s18;
	s10 =	rddreg [dreg:$0xb];
	v4 =	vld [tilespmem:s21+$0x0];
	[tilespmem:s23+$0x200] =	vst v2  }
0x9e: {  	v2 =	vld [tilespmem:s2+$0x0];
	_ =	sdelay $0x1  }
0x9f: {  	s26 =	sadd.s32 s0, s22;
	[tilespmem:s14+$0x280] =	vst v1  }
0xa0: {  	s3 =	sand.u32 $0x3, s24;
	s11 =	sadd.s32 s1, s22;
	v1 =	vld [tilespmem:s26+$0x0];
	s13 =	sadd.s32 s16, s19;
	[tilespmem:s5+$0x280] =	vst v3  }
0xa1: {  	s14 =	sshll.u32 s3, $0x5;
	s17 =	sadd.s32 $0x1, s24;
	s18 =	sadd.s32 s8, s13;
	v3 =	vld [tilespmem:s11+$0x0];
	[tilespmem:s25+$0x280] =	vst v4  }
0xa2: {  	s6 =	sadd.s32 s14, s12;
	s2 =	sand.u32 $0x3, s17;
	s5 =	sadd.s32 s4, s13;
	v4 =	vld [tilespmem:s18+$0x0];
	[tilespmem:s23+$0x280] =	vst v2  }
0xa3: {  	s19 =	sadd.s32 $0x10, s6;
	s2 =	sshll.u32 s2, $0x5;
	v2 =	vld [tilespmem:s5+$0x0]  }
0xa4: {  	s21 =	sadd.s32 s15, s20;
	s2 =	sadd.s32 s2, s7;
	s11 =	sor.u32 $0x300, s19  }
0xa5: {  	s22 =	sadd.s32 s0, s21;
	s24 =	sadd.s32 $0x10, s2;
	[tilespmem:s11+$0xC300] =	vst v1;
	s23 =	sor.u32 $0x300, s6  }
0xa6: {  	s26 =	sadd.s32 s16, s10;
	s25 =	sadd.s32 s1, s21;
	s3 =	sor.u32 $0x300, s24;
	v1 =	vld [tilespmem:s22+$0x0];
	[tilespmem:s23+$0xC300] =	vst v3  }
0xa7: {  	s7 =	sadd.s32 s8, s26;
	s8 =	sor.u32 $0x300, s2;
	v3 =	vld [tilespmem:s25+$0x0];
	[tilespmem:s3+$0xC300] =	vst v4  }
0xa8: {  	s0 =	sadd.s32 s4, s26;
	v4 =	vld [tilespmem:s7+$0x0];
	[tilespmem:s8+$0xC300] =	vst v2  }
0xa9: {  	v2 =	vld [tilespmem:s0+$0x0]  }
0xaa: {  	[tilespmem:s28+$0xC300] =	vst v0;
	s10 =	sor.u32 $0x380, s19  }
0xab: {  	s12 =	sor.u32 $0x380, s6;
	[tilespmem:s10+$0xC300] =	vst v1  }
0xac: {  	s31 =	sadd.s32 $0x1, s29;
	s28 =	sshll.u32 s29, $0xB;
	s13 =	sor.u32 $0x380, s24;
	[tilespmem:s12+$0xC300] =	vst v3  }
0xad: {  	s15 =	rddreg [dreg:$0x2];
	s16 =	simm.s32 $0x0;
	s14 =	sor.u32 $0x380, s2;
	[tilespmem:s13+$0xC300] =	vst v4  }
0xae: {  	s17 =	simm.s32 $0xC300;
	s18 =	sshrl.u32 s31, $0x1;
	s0 =	sadd.s32 s15, s28;
	[tilespmem:s14+$0xC300] =	vst v2  }
0xaf: {  	[hbm4b:s0+s16] =	stream.linear.scatter [tilespmem:s17], [sflag:$0x4], $0x4000, $0x38;
	[tilespmem:$0x18300] =	vst v63  }
0xb0: {  	s0 =	smulhi.u32 $0x30C30C31, s18;
	s1 =	sld [smem:$0x7FA]  }
0xb1: {  	p1 =	seq.s32 s30, $0x1B  }
0xb2: {  	s2 =	simm.s32 @!p1 $0x0;
	s0 =	sshrl.u32 s0, $0x2  }
0xb3: {  	s4 =	simm.s32 @!p1 $0x300;
	s1 =	sadd.s32 @!p1 s28, s1;
	s0 =	smul.u32 $0x2A, s0  }
0xb4: {  	[tilespmem:s4], [sflag:$0x1] =	stream.linear.gather @!p1 [hbm4b:s1+s2], $0x4000, $0x38;
	[tilespmem:$0x18300] =	vst v63  }
0xb5: {  	s0 =	ssub.s32 s31, s0  }
0xb6: {  	s0 =	sshll.u32 s0, $0x4  }
0xb7: {  	v0 =	vld [tilespmem:s0+$0x0];
	_ =	sdelay $0x4  }
0xb8: {  	(v2sf) =	vpush v0, $0x0  }
0xb9: {  	(v2sf) =	vpush v0, $0x1  }
0xba: {  	(v2sf) =	vpush v0, $0x2;
	_ =	sdelay $0x1  }
0xbb: {  	(v2sf) =	vpush v0, $0x3  }
0xbc: {  	(v2sf) =	vpush v0, $0x4;
	_ =	sdelay $0x1  }
0xbd: {  	(v2sf) =	vpush v0, $0x5;
	_ =	sdelay $0x1  }
0xbe: {  	(v2sf) =	vpush v0, $0x6  }
0xbf: {  	(v2sf) =	vpush v0, $0x7;
	_ =	sdelay $0x4  }
0xc0: {  	s19 =	spop (v2sf)  }
0xc1: {  	s3 =	simm.s32 $0x2;
	s10 =	simm.s32 @!p0 $0x5;
	s20 =	spop (v2sf)  }
0xc2: {  	s26 =	sshll.u32 s19, $0xB;
	s0 =	sshll.u32 s19, $0x7;
	s21 =	spop (v2sf)  }
0xc3: {  	s9 =	sand.u32 $0xFFFFC000, s26;
	s0 =	sand.u32 $0x380, s0;
	s1 =	sshll.u32 s20, $0x7  }
0xc4: {  	s22 =	spop (v2sf);
	s0 =	sor.u32 s0, s9;
	s1 =	sand.u32 $0x380, s1  }
0xc5: {  	s12 =	sshll.u32 s21, $0xB;
	s2 =	sshll.u32 s21, $0x7;
	s23 =	spop (v2sf)  }
0xc6: {  	s0 =	sadd.s32 $0x4300, s0;
	s2 =	sand.u32 $0x380, s2;
	s14 =	sshll.u32 s22, $0xB  }
0xc7: {  	s15 =	sshll.u32 s22, $0x7;
	s24 =	spop (v2sf);
	s16 =	sand.u32 $0xFFFFC000, s14  }
0xc8: {  	s17 =	sand.u32 $0x380, s15;
	s18 =	sshll.u32 s23, $0xB;
	s19 =	sshll.u32 s23, $0x7  }
0xc9: {  	s25 =	spop (v2sf);
	s21 =	sshll.u32 s24, $0xB;
	s22 =	sshll.u32 s24, $0x7  }
0xca: {  	s8 =	spop (v2sf);
	s23 =	sshll.u32 s25, $0xB;
	s24 =	sshll.u32 s25, $0x7  }
0xcb: {  	_ =	swait.ge [sflag:s3], $0x4000;
	s25 =	sand.u32 $0xFFFFC000, s23;
	s26 =	sand.u32 $0x380, s24  }
0xcc: {  	s7 =	sshll.u32 s8, $0xB;
	[sflag:s3] =	ssyncset.done $0x0;
	s5 =	sor.u32 s26, s25  }
0xcd: {  	[sflag:s3] =	ssyncadd.s32 $0xFFFFC000;
	s3 =	sshll.u32 s20, $0xB;
	s6 =	sadd.s32 $0x4300, s5  }
0xce: {  	_ =	swait.ge @!p0 [sflag:s10], $0x4000;
	[dreg:$0xc] =	wrdreg s0;
	s11 =	sand.u32 $0xFFFFC000, s3  }
0xcf: {  	s9 =	sshll.u32 s8, $0x7;
	[dreg:$0x12] =	wrdreg s6;
	s0 =	sor.u32 s1, s11  }
0xd0: {  	s1 =	sand.u32 $0xFFFFC000, s12;
	[sflag:s10] =	ssyncset.done @!p0 $0x0;
	s11 =	rddreg [dreg:$0xc]  }
0xd1: {  	s0 =	sadd.s32 $0x4300, s0;
	s13 =	sor.u32 s2, s1;
	s1 =	sand.u32 $0xFFFFC000, s18  }
0xd2: {  	s2 =	sand.u32 $0x380, s19;
	[dreg:$0xd] =	wrdreg s0;
	s0 =	sadd.s32 $0x4300, s13  }
0xd3: {  	s20 =	sor.u32 s2, s1;
	s1 =	sand.u32 $0xFFFFC000, s21;
	s2 =	sand.u32 $0x380, s22  }
0xd4: {  	s22 =	simm.s32 $0x0;
	[dreg:$0xe] =	wrdreg s0;
	s0 =	sor.u32 s17, s16  }
0xd5: {  	s1 =	sor.u32 s2, s1;
	s24 =	sand.u32 $0x60, s22;
	s0 =	sadd.s32 $0x4300, s0  }
0xd6: {  	s3 =	sadd.s32 $0x4300, s1;
	[dreg:$0xf] =	wrdreg s0;
	s0 =	sadd.s32 $0x4300, s20  }
0xd7: {  	s1 =	sand.u32 $0x380, s9;
	[dreg:$0x10] =	wrdreg s0;
	s0 =	sand.u32 $0xFFFFC000, s7  }
0xd8: {  	s18 =	sor.u32 $0x10, s24;
	s20 =	sand.u32 $0x3C00, s22;
	s0 =	sor.u32 s1, s0  }
0xd9: {  	[dreg:$0x11] =	wrdreg s3;
	s12 =	sadd.s32 s20, s11;
	s0 =	sadd.s32 $0x4300, s0  }
0xda: {  	[sflag:s10] =	ssyncadd.s32 @!p0 $0xFFFFC000;
	s13 =	sadd.s32 s18, s12;
	[dreg:$0x13] =	wrdreg s0  }
0xdb: {  	v0 =	vld [tilespmem:s13+$0x0]  }
0xdc: {  	s1 =	sadd.s32 s24, s12  }
0xdd: {  	v1 =	vld [tilespmem:s1+$0x0]  }
0xde: {  	s14 =	rddreg [dreg:$0xd];
	s15 =	sor.u32 $0x10300, s20  }
0xdf: {  	s25 =	sor.u32 s18, s15;
	s0 =	sadd.s32 s20, s14  }
0xe0: {  	s16 =	sadd.s32 s18, s0;
	[tilespmem:s25+$0x0] =	vst v0  }
0xe1: {  	s23 =	sor.u32 s24, s15;
	v0 =	vld [tilespmem:s16+$0x0]  }
0xe2: {  	s0 =	sadd.s32 s24, s0;
	[tilespmem:s23+$0x0] =	vst v1  }
0xe3: {  	v1 =	vld [tilespmem:s0+$0x0]  }
0xe4: {  	s17 =	rddreg [dreg:$0xe]  }
0xe5: {  	s0 =	sadd.s32 s20, s17  }
0xe6: {  	s19 =	sadd.s32 s18, s0;
	[tilespmem:s25+$0x80] =	vst v0  }
0xe7: {  	s26 =	rddreg [dreg:$0xc];
	s7 =	simm.s32 $0x20;
	s12 =	simm.s32 $0x100;
	v0 =	vld [tilespmem:s19+$0x0]  }
0xe8: {  	s15 =	sand.u32 $0x3C00, s12;
	s1 =	sand.u32 $0x60, s7;
	s0 =	sadd.s32 s24, s0;
	[tilespmem:s23+$0x80] =	vst v1  }
0xe9: {  	s4 =	sadd.s32 s15, s26;
	v1 =	vld [tilespmem:s0+$0x0];
	s0 =	sor.u32 $0x10, s1  }
0xea: {  	s21 =	rddreg [dreg:$0xf];
	s9 =	sadd.s32 s0, s4  }
0xeb: {  	s2 =	sadd.s32 s20, s21;
	s4 =	sadd.s32 s1, s4;
	v2 =	vld [tilespmem:s9+$0x0]  }
0xec: {  	s3 =	rddreg [dreg:$0x10];
	s8 =	sadd.s32 s18, s2;
	v3 =	vld [tilespmem:s4+$0x0];
	[tilespmem:s25+$0x100] =	vst v0  }
0xed: {  	v0 =	vld [tilespmem:s8+$0x0]  }
0xee: {  	s10 =	rddreg [dreg:$0xd];
	s16 =	sor.u32 $0x10300, s15  }
0xef: {  	s14 =	sor.u32 s0, s16;
	s2 =	sadd.s32 s24, s2;
	s4 =	sadd.s32 s15, s10;
	[tilespmem:s23+$0x100] =	vst v1  }
0xf0: {  	s5 =	sor.u32 s1, s16;
	s19 =	sadd.s32 s0, s4;
	v1 =	vld [tilespmem:s2+$0x0];
	[tilespmem:s14+$0x0] =	vst v2  }
0xf1: {  	s11 =	sadd.s32 s20, s3;
	s4 =	sadd.s32 s1, s4;
	[tilespmem:s5+$0x0] =	vst v3;
	v2 =	vld [tilespmem:s19+$0x0]  }
0xf2: {  	s17 =	sadd.s32 s18, s11;
	v3 =	vld [tilespmem:s4+$0x0];
	[tilespmem:s25+$0x180] =	vst v0  }
0xf3: {  	v0 =	vld [tilespmem:s17+$0x0]  }
0xf4: {  	s21 =	rddreg [dreg:$0xe]  }
0xf5: {  	s26 =	rddreg [dreg:$0x11];
	[tilespmem:s23+$0x180] =	vst v1  }
0xf6: {  	s6 =	sadd.s32 s24, s11;
	s2 =	sadd.s32 s15, s21;
	[tilespmem:s14+$0x80] =	vst v2  }
0xf7: {  	s13 =	sadd.s32 s0, s2;
	[tilespmem:s5+$0x80] =	vst v3;
	v1 =	vld [tilespmem:s6+$0x0]  }
0xf8: {  	s7 =	simm.s32 $0x200;
	s17 =	rddreg [dreg:$0xc];
	[tilespmem:s25+$0x200] =	vst v0;
	v0 =	vld [tilespmem:s13+$0x0]  }
0xf9: {  	s2 =	sadd.s32 s1, s2;
	s19 =	sadd.s32 s20, s26;
	s16 =	rddreg [dreg:$0xf]  }
0xfa: {  	s11 =	rddreg [dreg:$0x10];
	s4 =	sadd.s32 s18, s19;
	s26 =	sadd.s32 s24, s19  }
0xfb: {  	v3 =	vld [tilespmem:s2+$0x0];
	s6 =	sadd.s32 s15, s16;
	s13 =	simm.s32 $0x40;
	s3 =	rddreg [dreg:$0x12]  }
0xfc: {  	s16 =	sand.u32 $0x3C00, s7;
	s10 =	rddreg [dreg:$0x13];
	v2 =	vld [tilespmem:s4+$0x0];
	s4 =	sand.u32 $0x60, s13;
	[tilespmem:s23+$0x200] =	vst v1  }
0xfd: {  	s21 =	sadd.s32 s0, s6;
	s17 =	sadd.s32 s16, s17;
	s8 =	sor.u32 $0x10, s4;
	v1 =	vld [tilespmem:s26+$0x0];
	[tilespmem:s14+$0x100] =	vst v0  }
0xfe: {  	s26 =	sadd.s32 s8, s17;
	v0 =	vld [tilespmem:s21+$0x0]  }
0xff: {  	v4 =	vld [tilespmem:s26+$0x0]  }
0x100: {  	s22 =	sand.u32 $0x3, s22;
	s9 =	sadd.s32 s20, s3;
	[tilespmem:s5+$0x100] =	vst v3;
	s17 =	sadd.s32 s4, s17  }
0x101: {  	s22 =	sshll.u32 s22, $0x5;
	s19 =	rddreg [dreg:$0xd];
	s3 =	sadd.s32 s18, s9;
	[tilespmem:s25+$0x280] =	vst v2;
	v2 =	vld [tilespmem:s17+$0x0]  }
0x102: {  	s2 =	sadd.s32 $0x0, s22;
	s6 =	sadd.s32 s1, s6;
	s21 =	sor.u32 $0x10300, s16;
	v3 =	vld [tilespmem:s3+$0x0];
	[tilespmem:s23+$0x280] =	vst v1  }
0x103: {  	s11 =	sadd.s32 s15, s11;
	s9 =	sadd.s32 s24, s9;
	s26 =	sor.u32 s8, s21;
	[tilespmem:s14+$0x180] =	vst v0;
	v0 =	vld [tilespmem:s6+$0x0]  }
0x104: {  	s22 =	sadd.s32 $0x10, s2;
	s19 =	sadd.s32 s16, s19;
	s3 =	sadd.s32 s0, s11;
	[tilespmem:s26+$0x0] =	vst v4;
	v4 =	vld [tilespmem:s9+$0x0]  }
0x105: {  	s10 =	sadd.s32 s20, s10;
	s20 =	sadd.s32 s8, s19;
	s23 =	sor.u32 s4, s21;
	v1 =	vld [tilespmem:s3+$0x0]  }
0x106: {  	s21 =	sor.u32 $0x300, s22;
	[tilespmem:s23+$0x0] =	vst v2;
	v2 =	vld [tilespmem:s20+$0x0];
	s6 =	sadd.s32 s4, s19  }
0x107: {  	s30 =	sadd.s32 $0x1, s30;
	[tilespmem:s21+$0x10300] =	vst v3;
	s3 =	sadd.s32 s18, s10;
	v3 =	vld [tilespmem:s6+$0x0]  }
0x108: {  	s17 =	sadd.s32 s1, s11;
	s20 =	sor.u32 $0x300, s2;
	s25 =	rddreg [dreg:$0x11];
	v5 =	vld [tilespmem:s3+$0x0];
	[tilespmem:s5+$0x180] =	vst v0  }
0x109: {  	s19 =	rddreg [dreg:$0xe];
	s18 =	simm.s32 $0x4;
	s21 =	sadd.s32 s24, s10;
	[tilespmem:s20+$0x10300] =	vst v4;
	v6 =	vld [tilespmem:s17+$0x0]  }
0x10a: {  	s24 =	sor.u32 $0x380, s2;
	s9 =	sadd.s32 s15, s25;
	s3 =	sor.u32 $0x380, s22;
	[tilespmem:s14+$0x200] =	vst v1  }
0x10b: {  	s11 =	sadd.s32 s16, s19;
	s25 =	sadd.s32 s0, s9;
	[tilespmem:s26+$0x80] =	vst v2;
	v0 =	vld [tilespmem:s21+$0x0];
	s19 =	rddreg [dreg:$0x12]  }
0x10c: {  	s10 =	sadd.s32 s1, s9;
	s21 =	sadd.s32 s8, s11;
	[tilespmem:s23+$0x80] =	vst v3;
	v1 =	vld [tilespmem:s25+$0x0];
	s22 =	rddreg [dreg:$0x13]  }
0x10d: {  	s2 =	sadd.s32 s4, s11;
	s20 =	simm.s32 $0x300;
	v3 =	vld [tilespmem:s21+$0x0];
	[tilespmem:s3+$0x10300] =	vst v5;
	s9 =	rddreg [dreg:$0x10]  }
0x10e: {  	v2 =	vld [tilespmem:s2+$0x0];
	s11 =	rddreg [dreg:$0xf];
	s25 =	simm.s32 $0x1;
	s6 =	sadd.s32 s15, s19;
	[tilespmem:s5+$0x200] =	vst v6  }
.LBB2_5:
0x10f: {  	_ = 	snop  }
0x110: {  	s2 =	rddreg [dreg:$0xc];
	s13 =	sadd.s32 $0x20, s13;
	v4 =	vld [tilespmem:s10+$0x0];
	s17 =	sadd.s32 s0, s6  }
0x111: {  	s10 =	sand.u32 $0x3C00, s20;
	s21 =	sand.u32 $0x3, s25;
	s11 =	sadd.s32 s16, s11;
	[tilespmem:s14+$0x280] =	vst v1  }
0x112: {  	s19 =	sand.u32 $0x60, s13;
	s3 =	sshll.u32 s21, $0x5;
	s14 =	smov.u32 s26;
	[tilespmem:s24+$0x10300] =	vst v0;
	v1 =	vld [tilespmem:s17+$0x0]  }
0x113: {  	s21 =	sadd.s32 s8, s11;
	s2 =	sadd.s32 s10, s2;
	[tilespmem:s14+$0x100] =	vst v3;
	s17 =	sor.u32 $0x10, s19  }
0x114: {  	s18 =	sadd.s32 $0x2, s18;
	s12 =	sadd.s32 s3, s12;
	[tilespmem:s23+$0x100] =	vst v2;
	v0 =	vld [tilespmem:s21+$0x0];
	s26 =	sadd.s32 s17, s2  }
0x115: {  	s6 =	sadd.s32 s1, s6;
	s21 =	sadd.s32 $0x10, s12;
	[tilespmem:s5+$0x280] =	vst v4;
	s2 =	sadd.s32 s19, s2;
	v2 =	vld [tilespmem:s26+$0x0]  }
0x116: {  	s11 =	sadd.s32 s4, s11;
	s3 =	sadd.s32 s15, s22;
	s22 =	sor.u32 $0x300, s21;
	v3 =	vld [tilespmem:s2+$0x0]  }
0x117: {  	s25 =	sadd.s32 $0x1, s25;
	s15 =	sadd.s32 s16, s9;
	s26 =	sadd.s32 s0, s3;
	v4 =	vld [tilespmem:s11+$0x0];
	[tilespmem:s22+$0x10300] =	vst v1  }
0x118: {  	s3 =	sadd.s32 s1, s3;
	s0 =	rddreg [dreg:$0xd];
	v1 =	vld [tilespmem:s26+$0x0];
	s26 =	sor.u32 $0x10300, s10  }
0x119: {  	s1 =	sadd.s32 s8, s15;
	[tilespmem:s14+$0x180] =	vst v0;
	s9 =	sor.u32 s19, s26;
	s26 =	sor.u32 s17, s26  }
0x11a: {  	p2 =	slt.u32 s18, $0x7E;
	s24 =	sor.u32 $0x380, s12;
	s0 =	sadd.s32 s10, s0;
	v0 =	vld [tilespmem:s1+$0x0];
	[tilespmem:s26+$0x0] =	vst v2  }
0x11b: {  	s5 =	sadd.s32 s4, s15;
	s15 =	sor.u32 $0x380, s21;
	s21 =	sadd.s32 s19, s0;
	v2 =	vld [tilespmem:s6+$0x0];
	[tilespmem:s9+$0x0] =	vst v3  }
0x11c: {  	s11 =	rddreg [dreg:$0xe];
	s0 =	sadd.s32 s17, s0;
	s22 =	sor.u32 $0x300, s12;
	v5 =	vld [tilespmem:s21+$0x0];
	[tilespmem:s23+$0x180] =	vst v4  }
0x11d: {  	s12 =	rddreg [dreg:$0x11];
	s1 =	smov.u32 s4;
	s4 =	smov.u32 s19;
	v4 =	vld [tilespmem:s5+$0x0];
	[tilespmem:s15+$0x10300] =	vst v1  }
0x11e: {  	s19 =	rddreg [dreg:$0x12];
	s5 =	smov.u32 s23;
	s15 =	smov.u32 s16;
	v3 =	vld [tilespmem:s0+$0x0]  }
0x11f: {  	s16 =	smov.u32 s10;
	s0 =	smov.u32 s8;
	s2 =	sadd.s32 s15, s12  }
.Ltmp1:
0x120: {  	[tilespmem:s14+$0x200] =	vst v0;
	s10 =	sadd.s32 s1, s2;
	s2 =	sadd.s32 s0, s2;
	(pc) =	sbr.rel @p2 .LBB2_5-.Ltmp1, $4  }
0x121: {  	s23 =	smov.u32 s9;
	s8 =	smov.u32 s17;
	s17 =	sadd.s32 s16, s11;
	[tilespmem:s22+$0x10300] =	vst v2;
	v1 =	vld [tilespmem:s2+$0x0]  }
0x122: {  	s9 =	rddreg [dreg:$0x10];
	s12 =	smov.u32 s7;
	s21 =	sadd.s32 s4, s17;
	v0 =	vld [tilespmem:s3+$0x0];
	[tilespmem:s23+$0x80] =	vst v5  }
0x123: {  	s7 =	smov.u32 s20;
	s11 =	rddreg [dreg:$0xf];
	s2 =	sadd.s32 s8, s17;
	v2 =	vld [tilespmem:s21+$0x0];
	[tilespmem:s26+$0x80] =	vst v3  }
0x124: {  	s20 =	sadd.s32 $0x100, s20;
	s6 =	sadd.s32 s15, s19;
	s22 =	rddreg [dreg:$0x13];
	[tilespmem:s5+$0x200] =	vst v4;
	v3 =	vld [tilespmem:s2+$0x0]  }
0x125: {  	_ =	sdelay $0x2  }
0x126: {  	s2 =	sadd.s32 s16, s11  }
0x127: {  	s3 =	sadd.s32 s8, s2;
	[tilespmem:s26+$0x100] =	vst v3  }
0x128: {  	v3 =	vld [tilespmem:s3+$0x0]  }
0x129: {  	s2 =	sadd.s32 s4, s2;
	[tilespmem:s23+$0x100] =	vst v2  }
0x12a: {  	v2 =	vld [tilespmem:s2+$0x0];
	_ =	sdelay $0x1  }
0x12b: {  	s9 =	sadd.s32 s16, s9  }
0x12c: {  	s11 =	sadd.s32 s8, s9;
	[tilespmem:s26+$0x180] =	vst v3  }
0x12d: {  	v3 =	vld [tilespmem:s11+$0x0]  }
0x12e: {  	s2 =	sadd.s32 s4, s9;
	s13 =	rddreg [dreg:$0x11];
	[tilespmem:s23+$0x180] =	vst v2  }
0x12f: {  	v2 =	vld [tilespmem:s2+$0x0];
	_ =	sdelay $0x2  }
0x130: {  	s17 =	sadd.s32 s16, s13;
	[tilespmem:s26+$0x200] =	vst v3  }
0x131: {  	s19 =	sadd.s32 s8, s17;
	v3 =	vld [tilespmem:s10+$0x0];
	s18 =	rddreg [dreg:$0x12]  }
0x132: {  	s2 =	sadd.s32 s4, s17;
	s10 =	rddreg [dreg:$0x13];
	v4 =	vld [tilespmem:s19+$0x0];
	[tilespmem:s23+$0x200] =	vst v2  }
0x133: {  	v2 =	vld [tilespmem:s2+$0x0];
	_ =	sdelay $0x1  }
0x134: {  	s20 =	sadd.s32 s0, s6;
	[tilespmem:s14+$0x280] =	vst v1  }
0x135: {  	s21 =	sand.u32 $0x3, s25;
	s6 =	sadd.s32 s1, s6;
	v1 =	vld [tilespmem:s20+$0x0];
	s3 =	sadd.s32 s16, s18;
	[tilespmem:s5+$0x280] =	vst v3  }
0x136: {  	s9 =	sshll.u32 s21, $0x5;
	s11 =	sadd.s32 $0x1, s25;
	s13 =	sadd.s32 s8, s3;
	v3 =	vld [tilespmem:s6+$0x0];
	[tilespmem:s26+$0x280] =	vst v4  }
0x137: {  	s2 =	sand.u32 $0x3, s11;
	s3 =	sadd.s32 s4, s3;
	s5 =	sadd.s32 s9, s12;
	v4 =	vld [tilespmem:s13+$0x0];
	[tilespmem:s23+$0x280] =	vst v2  }
0x138: {  	s2 =	sshll.u32 s2, $0x5;
	s14 =	sadd.s32 $0x10, s5;
	v2 =	vld [tilespmem:s3+$0x0]  }
0x139: {  	s15 =	sadd.s32 s15, s22;
	s2 =	sadd.s32 s2, s7;
	s17 =	sor.u32 $0x300, s14  }
0x13a: {  	s18 =	sadd.s32 s0, s15;
	s20 =	sadd.s32 $0x10, s2;
	s19 =	sor.u32 $0x300, s5;
	[tilespmem:s17+$0x10300] =	vst v1  }
0x13b: {  	s21 =	sadd.s32 s1, s15;
	s22 =	sadd.s32 s16, s10;
	s23 =	sor.u32 $0x300, s20;
	v1 =	vld [tilespmem:s18+$0x0];
	[tilespmem:s19+$0x10300] =	vst v3  }
0x13c: {  	s25 =	sadd.s32 s8, s22;
	s26 =	sor.u32 $0x300, s2;
	v3 =	vld [tilespmem:s21+$0x0];
	[tilespmem:s23+$0x10300] =	vst v4  }
0x13d: {  	s0 =	sadd.s32 s4, s22;
	v4 =	vld [tilespmem:s25+$0x0];
	[tilespmem:s26+$0x10300] =	vst v2  }
0x13e: {  	v2 =	vld [tilespmem:s0+$0x0]  }
0x13f: {  	s29 =	sadd.s32 $0x2, s29;
	[tilespmem:s24+$0x10300] =	vst v0;
	s6 =	sor.u32 $0x380, s14  }
0x140: {  	s11 =	sshrl.u32 s29, $0x1;
	s7 =	sor.u32 $0x380, s5;
	[tilespmem:s6+$0x10300] =	vst v1  }
0x141: {  	s1 =	smulhi.u32 $0x30C30C31, s11;
	s9 =	sshll.u32 s31, $0xB;
	s8 =	sor.u32 $0x380, s20;
	[tilespmem:s7+$0x10300] =	vst v3  }
0x142: {  	s12 =	rddreg [dreg:$0x2];
	s2 =	sor.u32 $0x380, s2;
	s10 =	sand.u32 $0x1FFFF800, s9;
	[tilespmem:s8+$0x10300] =	vst v4  }
0x143: {  	s13 =	simm.s32 $0x0;
	s14 =	simm.s32 $0x10300;
	s0 =	sadd.s32 s12, s10;
	[tilespmem:s2+$0x10300] =	vst v2  }
0x144: {  	[hbm4b:s0+s13] =	stream.linear.scatter [tilespmem:s14], [sflag:$0x5], $0x4000, $0x38;
	[tilespmem:$0x18300] =	vst v63  }
0x145: {  	s1 =	sshrl.u32 s1, $0x2;
	s0 =	sld [smem:$0x7FB]  }
0x146: {  	s1 =	smul.u32 $0x2A, s1  }
0x147: {  	s3 =	simm.s32 @!p1 $0x4300  }
0x148: {  	s15 =	ssub.s32 s29, s1;
	s2 =	simm.s32 @!p1 $0x0;
	s0 =	sadd.s32 @!p1 s28, s0  }
0x149: {  	[tilespmem:s3], [sflag:$0x2] =	stream.linear.gather @!p1 [hbm4b:s0+s2], $0x4000, $0x38;
	[tilespmem:$0x18300] =	vst v63  }
0x14a: {  	s0 =	sshll.u32 s15, $0x4  }
0x14b: {  	v0 =	vld [tilespmem:s0+$0x0];
	_ =	sdelay $0x4  }
0x14c: {  	(v2sf) =	vpush v0, $0x0  }
0x14d: {  	(v2sf) =	vpush v0, $0x1  }
0x14e: {  	(v2sf) =	vpush v0, $0x2;
	_ =	sdelay $0x1  }
0x14f: {  	(v2sf) =	vpush v0, $0x3  }
0x150: {  	(v2sf) =	vpush v0, $0x4  }
0x151: {  	(v2sf) =	vpush v0, $0x5  }
0x152: {  	(v2sf) =	vpush v0, $0x6  }
0x153: {  	(v2sf) =	vpush v0, $0x7;
	_ =	sdelay $0x6  }
0x154: {  	s16 =	spop (v2sf)  }
0x155: {  	s9 =	simm.s32 @!p0 $0x6;
	s23 =	simm.s32 $0x3;
	s17 =	spop (v2sf)  }
0x156: {  	s24 =	sshll.u32 s16, $0xB;
	s0 =	sshll.u32 s16, $0x7;
	s18 =	spop (v2sf)  }
0x157: {  	s8 =	sand.u32 $0xFFFFC000, s24;
	s0 =	sand.u32 $0x380, s0;
	s25 =	sshll.u32 s17, $0xB  }
0x158: {  	s1 =	sshll.u32 s17, $0x7;
	s19 =	spop (v2sf);
	s0 =	sor.u32 s0, s8  }
0x159: {  	s26 =	sand.u32 $0xFFFFC000, s25;
	s1 =	sand.u32 $0x380, s1;
	s20 =	spop (v2sf)  }
0x15a: {  	s31 =	sshll.u32 s18, $0xB;
	s2 =	sshll.u32 s18, $0x7;
	s21 =	spop (v2sf)  }
0x15b: {  	s0 =	sadd.s32 $0x8300, s0;
	s3 =	sshll.u32 s19, $0x7;
	s22 =	spop (v2sf)  }
0x15c: {  	s2 =	sand.u32 $0x380, s2;
	s10 =	sand.u32 $0x380, s3;
	s7 =	spop (v2sf)  }
0x15d: {  	s11 =	sshll.u32 s20, $0xB;
	s12 =	sshll.u32 s20, $0x7;
	_ =	swait.ge [sflag:s23], $0x4000  }
0x15e: {  	s14 =	sshll.u32 s21, $0xB;
	s15 =	sshll.u32 s21, $0x7;
	[sflag:s23] =	ssyncset.done $0x0  }
0x15f: {  	s16 =	sshll.u32 s22, $0xB;
	s17 =	sshll.u32 s22, $0x7;
	[sflag:s23] =	ssyncadd.s32 $0xFFFFC000  }
0x160: {  	s18 =	sand.u32 $0xFFFFC000, s16;
	s24 =	sshll.u32 s7, $0x7;
	_ =	swait.ge @!p0 [sflag:s9], $0x4000  }
0x161: {  	[dreg:$0x14] =	wrdreg s0;
	s0 =	sor.u32 s1, s26;
	s1 =	sand.u32 $0xFFFFC000, s31  }
0x162: {  	s23 =	sshll.u32 s7, $0xB;
	s0 =	sadd.s32 $0x8300, s0;
	s1 =	sor.u32 s2, s1  }
0x163: {  	s2 =	sshll.u32 s19, $0xB;
	s19 =	sand.u32 $0x380, s17;
	s25 =	rddreg [dreg:$0x14]  }
0x164: {  	[sflag:s9] =	ssyncset.done @!p0 $0x0;
	[dreg:$0x15] =	wrdreg s0;
	s0 =	sadd.s32 $0x8300, s1  }
0x165: {  	s8 =	sand.u32 $0xFFFFC000, s2;
	s1 =	sand.u32 $0xFFFFC000, s11;
	s2 =	sand.u32 $0x380, s12  }
0x166: {  	s21 =	sor.u32 s19, s18;
	[dreg:$0x16] =	wrdreg s0;
	s0 =	sor.u32 s10, s8  }
0x167: {  	s13 =	sor.u32 s2, s1;
	s1 =	sand.u32 $0xFFFFC000, s14;
	s22 =	sadd.s32 $0x8300, s21  }
0x168: {  	s2 =	sand.u32 $0x380, s15;
	s0 =	sadd.s32 $0x8300, s0;
	[dreg:$0x1a] =	wrdreg s22  }
0x169: {  	s1 =	sor.u32 s2, s1;
	s22 =	simm.s32 $0x0;
	[dreg:$0x17] =	wrdreg s0  }
0x16a: {  	s0 =	sadd.s32 $0x8300, s13;
	s20 =	sadd.s32 $0x8300, s1;
	s1 =	sand.u32 $0x380, s24  }
0x16b: {  	s24 =	sand.u32 $0x60, s22;
	[dreg:$0x18] =	wrdreg s0;
	s0 =	sand.u32 $0xFFFFC000, s23  }
0x16c: {  	[dreg:$0x19] =	wrdreg s20;
	s20 =	sand.u32 $0x3C00, s22;
	s0 =	sor.u32 s1, s0  }
0x16d: {  	s18 =	sor.u32 $0x10, s24;
	s26 =	sadd.s32 s20, s25;
	s0 =	sadd.s32 $0x8300, s0  }
0x16e: {  	[sflag:s9] =	ssyncadd.s32 @!p0 $0xFFFFC000;
	s31 =	sadd.s32 s18, s26;
	[dreg:$0x1b] =	wrdreg s0  }
0x16f: {  	v0 =	vld [tilespmem:s31+$0x0]  }
0x170: {  	s1 =	sadd.s32 s24, s26  }
0x171: {  	v1 =	vld [tilespmem:s1+$0x0]  }
0x172: {  	s2 =	sor.u32 $0x14300, s20;
	s1 =	rddreg [dreg:$0x15]  }
0x173: {  	s25 =	sor.u32 s18, s2;
	s0 =	sadd.s32 s20, s1  }
0x174: {  	s3 =	sadd.s32 s18, s0;
	[tilespmem:s25+$0x0] =	vst v0  }
0x175: {  	s23 =	sor.u32 s24, s2;
	v0 =	vld [tilespmem:s3+$0x0]  }
0x176: {  	s0 =	sadd.s32 s24, s0;
	[tilespmem:s23+$0x0] =	vst v1  }
0x177: {  	v1 =	vld [tilespmem:s0+$0x0]  }
0x178: {  	s4 =	rddreg [dreg:$0x16]  }
0x179: {  	s0 =	sadd.s32 s20, s4  }
0x17a: {  	s5 =	sadd.s32 s18, s0;
	[tilespmem:s25+$0x80] =	vst v0  }
0x17b: {  	s7 =	rddreg [dreg:$0x14];
	s12 =	simm.s32 $0x100;
	s9 =	simm.s32 $0x20;
	v0 =	vld [tilespmem:s5+$0x0]  }
0x17c: {  	s15 =	sand.u32 $0x3C00, s12;
	s1 =	sand.u32 $0x60, s9;
	s0 =	sadd.s32 s24, s0;
	[tilespmem:s23+$0x80] =	vst v1  }
0x17d: {  	s3 =	sadd.s32 s15, s7;
	v1 =	vld [tilespmem:s0+$0x0];
	s0 =	sor.u32 $0x10, s1  }
0x17e: {  	s6 =	rddreg [dreg:$0x17];
	s11 =	sadd.s32 s0, s3  }
0x17f: {  	s2 =	sadd.s32 s20, s6;
	s3 =	sadd.s32 s1, s3;
	v2 =	vld [tilespmem:s11+$0x0]  }
0x180: {  	s8 =	rddreg [dreg:$0x18];
	s10 =	sadd.s32 s18, s2;
	v3 =	vld [tilespmem:s3+$0x0];
	[tilespmem:s25+$0x100] =	vst v0  }
0x181: {  	v0 =	vld [tilespmem:s10+$0x0]  }
0x182: {  	s16 =	sor.u32 $0x14300, s15;
	s13 =	rddreg [dreg:$0x15]  }
0x183: {  	s14 =	sor.u32 s0, s16;
	s2 =	sadd.s32 s24, s2;
	s3 =	sadd.s32 s15, s13;
	[tilespmem:s23+$0x100] =	vst v1  }
0x184: {  	s5 =	sor.u32 s1, s16;
	s19 =	sadd.s32 s0, s3;
	v1 =	vld [tilespmem:s2+$0x0];
	[tilespmem:s14+$0x0] =	vst v2  }
0x185: {  	s4 =	sadd.s32 s20, s8;
	s3 =	sadd.s32 s1, s3;
	[tilespmem:s5+$0x0] =	vst v3;
	v2 =	vld [tilespmem:s19+$0x0]  }
0x186: {  	s17 =	sadd.s32 s18, s4;
	v3 =	vld [tilespmem:s3+$0x0];
	[tilespmem:s25+$0x180] =	vst v0  }
0x187: {  	v0 =	vld [tilespmem:s17+$0x0]  }
0x188: {  	s21 =	rddreg [dreg:$0x16]  }
0x189: {  	s26 =	rddreg [dreg:$0x19];
	[tilespmem:s23+$0x180] =	vst v1  }
0x18a: {  	s4 =	sadd.s32 s24, s4;
	s2 =	sadd.s32 s15, s21;
	[tilespmem:s14+$0x80] =	vst v2  }
0x18b: {  	s13 =	sadd.s32 s0, s2;
	[tilespmem:s5+$0x80] =	vst v3;
	v1 =	vld [tilespmem:s4+$0x0]  }
0x18c: {  	s19 =	rddreg [dreg:$0x14];
	s3 =	sadd.s32 s20, s26;
	[tilespmem:s25+$0x200] =	vst v0;
	v0 =	vld [tilespmem:s13+$0x0]  }
0x18d: {  	s7 =	simm.s32 $0x200;
	s16 =	rddreg [dreg:$0x17];
	s17 =	sadd.s32 s18, s3  }
0x18e: {  	s2 =	sadd.s32 s1, s2;
	s10 =	rddreg [dreg:$0x18];
	s3 =	sadd.s32 s24, s3;
	v2 =	vld [tilespmem:s17+$0x0]  }
0x18f: {  	s11 =	sadd.s32 s15, s16;
	s13 =	simm.s32 $0x40;
	s31 =	rddreg [dreg:$0x1a]  }
0x190: {  	v3 =	vld [tilespmem:s2+$0x0];
	s16 =	sand.u32 $0x3C00, s7;
	s9 =	rddreg [dreg:$0x1b];
	s4 =	sand.u32 $0x60, s13;
	[tilespmem:s23+$0x200] =	vst v1  }
0x191: {  	s21 =	sadd.s32 s0, s11;
	s17 =	sadd.s32 s16, s19;
	s8 =	sor.u32 $0x10, s4;
	v1 =	vld [tilespmem:s3+$0x0];
	[tilespmem:s14+$0x100] =	vst v0  }
0x192: {  	s26 =	sadd.s32 s8, s17;
	s17 =	sadd.s32 s4, s17;
	v0 =	vld [tilespmem:s21+$0x0]  }
0x193: {  	s31 =	sadd.s32 s20, s31;
	[tilespmem:s25+$0x280] =	vst v2;
	v2 =	vld [tilespmem:s17+$0x0]  }
0x194: {  	s19 =	sand.u32 $0x3, s22;
	v4 =	vld [tilespmem:s26+$0x0];
	s21 =	sadd.s32 s18, s31  }
0x195: {  	s10 =	sadd.s32 s15, s10;
	s22 =	rddreg [dreg:$0x15];
	s6 =	sshll.u32 s19, $0x5;
	[tilespmem:s5+$0x100] =	vst v3;
	v3 =	vld [tilespmem:s21+$0x0]  }
0x196: {  	s19 =	sor.u32 $0x14300, s16;
	s2 =	sadd.s32 $0x0, s6;
	s25 =	sadd.s32 s1, s11;
	[tilespmem:s23+$0x280] =	vst v1  }
0x197: {  	s3 =	sadd.s32 s24, s31;
	s26 =	sadd.s32 s0, s10;
	s23 =	sor.u32 s4, s19;
	[tilespmem:s14+$0x180] =	vst v0;
	v0 =	vld [tilespmem:s25+$0x0]  }
0x198: {  	s11 =	sadd.s32 $0x10, s2;
	s31 =	sadd.s32 s16, s22;
	[tilespmem:s23+$0x0] =	vst v2;
	v1 =	vld [tilespmem:s26+$0x0];
	s26 =	sor.u32 s8, s19  }
0x199: {  	s6 =	sadd.s32 s4, s31;
	s19 =	sor.u32 $0x300, s11;
	[tilespmem:s26+$0x0] =	vst v4;
	v4 =	vld [tilespmem:s3+$0x0]  }
0x19a: {  	s9 =	sadd.s32 s20, s9;
	s17 =	sadd.s32 s8, s31;
	[tilespmem:s19+$0x14300] =	vst v3;
	v3 =	vld [tilespmem:s6+$0x0]  }
0x19b: {  	s21 =	sadd.s32 s18, s9;
	v2 =	vld [tilespmem:s17+$0x0]  }
0x19c: {  	s22 =	sadd.s32 s1, s10;
	s18 =	simm.s32 $0x4;
	s20 =	rddreg [dreg:$0x19];
	v5 =	vld [tilespmem:s21+$0x0];
	[tilespmem:s5+$0x180] =	vst v0  }
0x19d: {  	s31 =	sor.u32 $0x300, s2;
	s9 =	sadd.s32 s24, s9;
	s3 =	sadd.s32 s15, s20;
	[tilespmem:s14+$0x200] =	vst v1;
	v6 =	vld [tilespmem:s22+$0x0]  }
0x19e: {  	s24 =	sor.u32 $0x380, s2;
	s25 =	rddreg [dreg:$0x16];
	s19 =	sadd.s32 s0, s3;
	[tilespmem:s31+$0x14300] =	vst v4  }
0x19f: {  	s20 =	sor.u32 $0x380, s11;
	s21 =	sadd.s32 s16, s25;
	v1 =	vld [tilespmem:s19+$0x0];
	s25 =	rddreg [dreg:$0x1a];
	[tilespmem:s23+$0x80] =	vst v3  }
0x1a0: {  	s10 =	sadd.s32 s1, s3;
	s2 =	sadd.s32 s4, s21;
	s22 =	rddreg [dreg:$0x1b];
	[tilespmem:s26+$0x80] =	vst v2;
	v0 =	vld [tilespmem:s9+$0x0]  }
0x1a1: {  	s31 =	sadd.s32 s8, s21;
	[tilespmem:s20+$0x14300] =	vst v5;
	s20 =	simm.s32 $0x300;
	v2 =	vld [tilespmem:s2+$0x0];
	s9 =	rddreg [dreg:$0x18]  }
0x1a2: {  	s6 =	sadd.s32 s15, s25;
	s25 =	simm.s32 $0x1;
	v3 =	vld [tilespmem:s31+$0x0];
	s11 =	rddreg [dreg:$0x17];
	[tilespmem:s5+$0x200] =	vst v6  }
.LBB2_7:
0x1a3: {  	_ = 	snop  }
0x1a4: {  	s2 =	rddreg [dreg:$0x14];
	s13 =	sadd.s32 $0x20, s13;
	s3 =	sadd.s32 s0, s6  }
0x1a5: {  	v4 =	vld [tilespmem:s10+$0x0];
	s10 =	sand.u32 $0x3C00, s20;
	s19 =	sand.u32 $0x3, s25;
	s18 =	sadd.s32 $0x2, s18;
	[tilespmem:s14+$0x280] =	vst v1  }
0x1a6: {  	s31 =	sadd.s32 s16, s11;
	s6 =	sadd.s32 s1, s6;
	s14 =	smov.u32 s26;
	v1 =	vld [tilespmem:s3+$0x0]  }
0x1a7: {  	s17 =	sand.u32 $0x60, s13;
	s19 =	sshll.u32 s19, $0x5;
	s21 =	sadd.s32 s8, s31;
	[tilespmem:s14+$0x100] =	vst v3  }
0x1a8: {  	s2 =	sadd.s32 s10, s2;
	s11 =	sadd.s32 s19, s12;
	s12 =	sor.u32 $0x10, s17;
	[tilespmem:s24+$0x14300] =	vst v0;
	v0 =	vld [tilespmem:s21+$0x0]  }
0x1a9: {  	s25 =	sadd.s32 $0x1, s25;
	s19 =	sadd.s32 $0x10, s11;
	[tilespmem:s23+$0x100] =	vst v2;
	s21 =	sadd.s32 s12, s2  }
0x1aa: {  	s24 =	sadd.s32 s15, s22;
	s26 =	sor.u32 $0x300, s19;
	[tilespmem:s5+$0x280] =	vst v4;
	s2 =	sadd.s32 s17, s2;
	v2 =	vld [tilespmem:s21+$0x0]  }
0x1ab: {  	p0 =	slt.u32 s18, $0x7E;
	s3 =	sadd.s32 s4, s31;
	s31 =	sadd.s32 s0, s24;
	v3 =	vld [tilespmem:s2+$0x0];
	[tilespmem:s26+$0x14300] =	vst v1  }
0x1ac: {  	s15 =	sadd.s32 s16, s9;
	s22 =	sadd.s32 s1, s24;
	s24 =	sor.u32 $0x380, s11;
	v1 =	vld [tilespmem:s31+$0x0]  }
0x1ad: {  	s1 =	sadd.s32 s8, s15;
	s5 =	rddreg [dreg:$0x15];
	v4 =	vld [tilespmem:s3+$0x0];
	s26 =	sor.u32 $0x14300, s10;
	[tilespmem:s14+$0x180] =	vst v0  }
0x1ae: {  	s21 =	sor.u32 $0x300, s11;
	s9 =	sor.u32 s17, s26;
	s26 =	sor.u32 s12, s26;
	v0 =	vld [tilespmem:s1+$0x0]  }
0x1af: {  	s3 =	sadd.s32 s4, s15;
	s0 =	sadd.s32 s10, s5;
	s15 =	smov.u32 s16;
	[tilespmem:s26+$0x0] =	vst v2;
	v2 =	vld [tilespmem:s6+$0x0]  }
0x1b0: {  	s16 =	smov.u32 s10;
	s11 =	sadd.s32 s17, s0;
	s6 =	sor.u32 $0x380, s19;
	[tilespmem:s9+$0x0] =	vst v3  }
0x1b1: {  	s5 =	smov.u32 s23;
	s0 =	sadd.s32 s12, s0;
	s31 =	rddreg [dreg:$0x19];
	v5 =	vld [tilespmem:s11+$0x0];
	[tilespmem:s6+$0x14300] =	vst v1  }
0x1b2: {  	s1 =	smov.u32 s4;
	s19 =	rddreg [dreg:$0x16];
	s2 =	sadd.s32 s15, s31;
	[tilespmem:s23+$0x180] =	vst v4;
	v3 =	vld [tilespmem:s0+$0x0]  }
0x1b3: {  	s4 =	smov.u32 s17;
	s31 =	rddreg [dreg:$0x1a];
	s10 =	sadd.s32 s1, s2;
	v4 =	vld [tilespmem:s3+$0x0]  }
.Ltmp2:
0x1b4: {  	s23 =	smov.u32 s9;
	s0 =	smov.u32 s8;
	[tilespmem:s21+$0x14300] =	vst v2;
	(pc) =	sbr.rel @p0 .LBB2_7-.Ltmp2, $4  }
0x1b5: {  	s9 =	rddreg [dreg:$0x18];
	[tilespmem:s14+$0x200] =	vst v0;
	s21 =	sadd.s32 s16, s19;
	s2 =	sadd.s32 s0, s2;
	v0 =	vld [tilespmem:s22+$0x0]  }
0x1b6: {  	s11 =	rddreg [dreg:$0x17];
	s8 =	smov.u32 s12;
	s6 =	sadd.s32 s4, s21;
	[tilespmem:s23+$0x80] =	vst v5;
	v1 =	vld [tilespmem:s2+$0x0]  }
0x1b7: {  	s12 =	smov.u32 s7;
	s7 =	smov.u32 s20;
	s2 =	sadd.s32 s8, s21;
	v2 =	vld [tilespmem:s6+$0x0];
	[tilespmem:s26+$0x80] =	vst v3  }
0x1b8: {  	s20 =	sadd.s32 $0x100, s20;
	s22 =	rddreg [dreg:$0x1b];
	[tilespmem:s5+$0x200] =	vst v4;
	s6 =	sadd.s32 s15, s31;
	v3 =	vld [tilespmem:s2+$0x0]  }
0x1b9: {  	_ =	sdelay $0x2  }
0x1ba: {  	s2 =	sadd.s32 s16, s11  }
0x1bb: {  	s3 =	sadd.s32 s8, s2;
	[tilespmem:s26+$0x100] =	vst v3  }
0x1bc: {  	v3 =	vld [tilespmem:s3+$0x0]  }
0x1bd: {  	s2 =	sadd.s32 s4, s2;
	[tilespmem:s23+$0x100] =	vst v2  }
0x1be: {  	v2 =	vld [tilespmem:s2+$0x0];
	_ =	sdelay $0x1  }
0x1bf: {  	s20 =	sadd.s32 s16, s9  }
0x1c0: {  	s21 =	sadd.s32 s8, s20;
	[tilespmem:s26+$0x180] =	vst v3  }
0x1c1: {  	v3 =	vld [tilespmem:s21+$0x0]  }
0x1c2: {  	s2 =	sadd.s32 s4, s20;
	s31 =	rddreg [dreg:$0x19];
	[tilespmem:s23+$0x180] =	vst v2  }
0x1c3: {  	v2 =	vld [tilespmem:s2+$0x0];
	_ =	sdelay $0x2  }
0x1c4: {  	v63 =	vld [tilespmem:s10+$0x0];
	s3 =	sadd.s32 s16, s31;
	[tilespmem:s26+$0x200] =	vst v3  }
0x1c5: {  	s13 =	sadd.s32 s8, s3;
	s11 =	rddreg [dreg:$0x1a]  }
0x1c6: {  	s2 =	sadd.s32 s4, s3;
	s10 =	rddreg [dreg:$0x1b];
	v4 =	vld [tilespmem:s13+$0x0];
	[tilespmem:s23+$0x200] =	vst v2  }
0x1c7: {  	v2 =	vld [tilespmem:s2+$0x0];
	_ =	sdelay $0x1  }
0x1c8: {  	s19 =	sadd.s32 s1, s6;
	[tilespmem:s5+$0x280] =	vst v63  }
0x1c9: {  	s17 =	sadd.s32 s0, s6;
	[tilespmem:s14+$0x280] =	vst v1;
	v3 =	vld [tilespmem:s19+$0x0];
	s3 =	sadd.s32 s16, s11  }
0x1ca: {  	s18 =	sand.u32 $0x3, s25;
	v1 =	vld [tilespmem:s17+$0x0];
	s21 =	sadd.s32 $0x1, s25;
	s25 =	sadd.s32 s8, s3;
	[tilespmem:s26+$0x280] =	vst v4  }
0x1cb: {  	s20 =	sshll.u32 s18, $0x5;
	s2 =	sand.u32 $0x3, s21;
	s3 =	sadd.s32 s4, s3;
	v4 =	vld [tilespmem:s25+$0x0];
	[tilespmem:s23+$0x280] =	vst v2  }
0x1cc: {  	s5 =	sadd.s32 s20, s12;
	s31 =	sadd.s32 s15, s22;
	s2 =	sshll.u32 s2, $0x5;
	v2 =	vld [tilespmem:s3+$0x0]  }
0x1cd: {  	s13 =	sor.u32 $0x300, s5;
	s2 =	sadd.s32 s2, s7;
	s26 =	sadd.s32 $0x10, s5  }
0x1ce: {  	s15 =	sadd.s32 s1, s31;
	s14 =	sadd.s32 $0x10, s2;
	[tilespmem:s13+$0x14300] =	vst v3;
	s11 =	sor.u32 $0x300, s26  }
0x1cf: {  	s12 =	sadd.s32 s0, s31;
	s17 =	sadd.s32 s16, s10;
	s18 =	sor.u32 $0x300, s14;
	v3 =	vld [tilespmem:s15+$0x0];
	[tilespmem:s11+$0x14300] =	vst v1  }
0x1d0: {  	s19 =	sadd.s32 s8, s17;
	s20 =	sor.u32 $0x300, s2;
	v1 =	vld [tilespmem:s12+$0x0];
	[tilespmem:s18+$0x14300] =	vst v4  }
0x1d1: {  	s0 =	sadd.s32 s4, s17;
	v4 =	vld [tilespmem:s19+$0x0];
	[tilespmem:s20+$0x14300] =	vst v2  }
0x1d2: {  	v2 =	vld [tilespmem:s0+$0x0]  }
0x1d3: {  	[tilespmem:s24+$0x14300] =	vst v0;
	s22 =	sor.u32 $0x380, s5  }
0x1d4: {  	p0 =	sne.s32 @!p1 s30, $0x1C;
	s21 =	sor.u32 $0x380, s26;
	[tilespmem:s22+$0x14300] =	vst v3  }
0x1d5: {  	s24 =	sshll.u32 s29, $0xB;
	s29 =	simm.s32 $0x0;
	s23 =	sor.u32 $0x380, s14;
	[tilespmem:s21+$0x14300] =	vst v1  }
0x1d6: {  	s2 =	sor.u32 $0x380, s2;
	s25 =	sand.u32 $0x1FFFF800, s24;
	s26 =	rddreg [dreg:$0x2];
	[tilespmem:s23+$0x14300] =	vst v4  }
0x1d7: {  	p0 =	por p1, !p0;
	s31 =	simm.s32 $0x14300;
	s0 =	sadd.s32 s26, s25;
	[tilespmem:s2+$0x14300] =	vst v2  }
0x1d8: {  	[hbm4b:s0+s29] =	stream.linear.scatter [tilespmem:s31], [sflag:$0x6], $0x4000, $0x38;
	[tilespmem:$0x18300] =	vst v63  }
.Ltmp3:
0x1d9: {  	s0 =	sld [smem:$0x7FC];
	(pc) =	sbr.rel @!p0 .LBB2_2-.Ltmp3, $3  }
0x1da: {  	_ =	sdelay $0x1  }
0x1db: {  	s1 =	simm.s32 @!p1 $0x0;
	s2 =	simm.s32 @!p1 $0x8300;
	s0 =	sadd.s32 @!p1 s28, s0  }
0x1dc: {  	[tilespmem:s2], [sflag:$0x3] =	stream.linear.gather @!p1 [hbm4b:s0+s1], $0x4000, $0x38;
	[tilespmem:$0x18300] =	vst v63  }
0x1dd: {  	s0 =	simm.s32 $0x4  }
0x1de: {  	_ =	swait.ge [sflag:s0], $0x4000  }
0x1df: {  	[sflag:s0] =	ssyncset.done $0x0  }
0x1e0: {  	s30 =	simm.s32 $0x5;
	[sflag:s0] =	ssyncadd.s32 $0xFFFFC000  }
0x1e1: {  	_ =	swait.ge [sflag:s30], $0x4000  }
0x1e2: {  	[sflag:s30] =	ssyncset.done $0x0  }
0x1e3: {  	s1 =	simm.s32 $0x6;
	[sflag:s30] =	ssyncadd.s32 $0xFFFFC000  }
0x1e4: {  	_ =	swait.ge [sflag:s1], $0x4000  }
0x1e5: {  	s2 =	sld [smem:$0x7F8]  }
0x1e6: {  	s31 =	sld [smem:$0x7FD];
	_ =	sdelay $0x1  }
0x1e7: {  	s2 =	sadd.s32 $0x1, s2  }
0x1e8: {  	p0 =	sne.s32 s2, s31  }
.Ltmp4:
0x1e9: {  	_ = 	snop;
	(pc) =	sbr.rel @p0 .LBB2_1-.Ltmp4, $3  }
0x1ea: {  	_ =	sdelay $0x1  }
0x1eb: {  	[sflag:s1] =	ssyncset.done $0x0  }
0x1ec: {  	[sflag:s1] =	ssyncadd.s32 $0xFFFFC000  }
0x1ed: {  	_ =	sfence.sel $0x180000  }
0x1ee: {  	[bflag:$0x0] =	sbarrier.arrive $0xFFFF  }
0x1ef: {  	_ =	strace $0x90000047  }
0x1f0: {  	s0 =	stileid.u32;
	[bflag:$0x2] =	sbarrier.arrive $0xFFFF  }
0x1f1: {  	p0 =	sne.s32 s0, $0x0;
	s0 =	rddreg [dreg:$0x3]  }
0x1f2: {  	s0 =	sadd.s32 @!p0 $0x100000, s0  }
0x1f3: {  	[sflag:s0] =	ssyncadd.tile.s32 @!p0 $0x1;
	_ =	shalt  }
.Lfunc_end2:
_tile_overlayer_lowered:
.L_overlay_start_2:
0x1f4: {  	(tag) =	ssettag $0x2  }
0x1f5: {  	s0 =	rddreg [dreg:$0x0];
	s2 =	stileid.u32  }
0x1f6: {  	s1 =	rddreg [dreg:$0x1];
	p0 =	sne.s32 s2, $0x0  }
0x1f7: {  	s3 =	rddreg [dreg:$0x2];
	[bflag:$0x3] =	sbarrier.arrive $0xFFFF;
	s2 =	simm.s32 @!p0 $0x1C07  }
0x1f8: {  	[timem:s3], [sflag:s2] =	dma.local @!p0 [hbm:s0], s1  }
0x1f9: {  	s0 =	simm.s32 @!p0 $0x7  }
0x1fa: {  	_ =	swait.ge @!p0 [sflag:s0], s1  }
0x1fb: {  	s1 =	ssub.s32 @!p0 $0x0, s1;
	[sflag:s0] =	ssyncset.done @!p0 $0x0  }
0x1fc: {  	[sflag:s0] =	ssyncadd.s32 @!p0 s1  }
0x1fd: {  	[bflag:$0x3] =	sbarrier.arrive $0xFFFF  }
0x1fe: {  	_ =	shalt  }

</sc_bundles>
